<compile_context>
chip_gen: v7x
topology: tpu7x:2x2x1
jax: 0.10.2.dev20260603
libtpu: 0.0.44.dev20260713+nightly
codegen_flags: <defaults>
</compile_context>

<pallas_src>
import functools

import jax
import jax.numpy as jnp
from jax import lax
from jax.experimental import pallas as pl
from jax.experimental.pallas import tpu as pltpu
from jax.experimental.pallas import tpu_sc as plsc

N_NODES = 100000
IN_CH = 768
HID = 64
NT = 1024
N_EDGES = 3200000
ALPHA = 0.0001

NC = 2
NS = 16
NW = NC * NS
EDGES_PER_TILE = N_EDGES // NW
CHUNK = 10000
NGROUP = CHUNK // 16
NCHUNK = EDGES_PER_TILE // CHUNK
K = 128
TRASH = NT
ACC_ROWS = NT + 8
TGT_PER_TILE = NT // NW
ROW_BLK = 2000
NOT_TGT = 0xFFFF


def _proj_body(x_ref, w_ref, y_ref):
    y_ref[...] = jnp.dot(x_ref[...], w_ref[...],
                         preferred_element_type=jnp.float32)


def _project(x, wt):
    return pl.pallas_call(
        _proj_body,
        grid=(N_NODES // ROW_BLK,),
        in_specs=[
            pl.BlockSpec((ROW_BLK, IN_CH), lambda i: (i, 0)),
            pl.BlockSpec((IN_CH, HID), lambda i: (0, 0)),
        ],
        out_specs=pl.BlockSpec((ROW_BLK, HID), lambda i: (i, 0)),
        out_shape=jax.ShapeDtypeStruct((N_NODES, HID), jnp.float32),
    )(x, wt)


def _sc_body(src_hbm, dst_hbm, lut_hbm, y_hbm, tgt_hbm, z64_hbm, z16_hbm,
             ones_hbm, acc_out, cnt_out, yt_out,
             lut_v, srcc_v, dstc_v, half_buf, sbuf_v, slbuf_v, rows_v,
             ones_v, ti_v, tr_v, sem0, sem1, sem2, sem3, acc_sh, cnt_sh):
    cid = lax.axis_index("c")
    sid = lax.axis_index("s")
    wid = sid * NC + cid

    @pl.when(sid == 0)
    def _():
        pltpu.sync_copy(z64_hbm, acc_sh)
        pltpu.sync_copy(z16_hbm, cnt_sh)
    plsc.subcore_barrier()

    pltpu.sync_copy(lut_hbm, lut_v)
    pltpu.sync_copy(ones_hbm, ones_v)

    zeros16 = jnp.zeros((16,), jnp.int32)
    trash16 = jnp.full((16,), TRASH, jnp.int32)
    for i in range(K // 16):
        sbuf_v[pl.ds(16 * i, 16)] = zeros16
        slbuf_v[pl.ds(16 * i, 16)] = trash16

    def flush(_):
        pltpu.sync_copy(y_hbm.at[sbuf_v], rows_v)
        pltpu.sync_copy(rows_v, acc_sh.at[slbuf_v], add=True)
        pltpu.sync_copy(ones_v, cnt_sh.at[slbuf_v], add=True)
        for i in range(K // 16):
            slbuf_v[pl.ds(16 * i, 16)] = trash16
        return 0

    ebase = wid * EDGES_PER_TILE

    def start_load(c, src_buf, dst_buf, sem_a, sem_b):
        base = ebase + c * CHUNK
        pltpu.make_async_copy(src_hbm.at[pl.ds(base, CHUNK)], src_buf,
                              sem_a).start()
        pltpu.make_async_copy(dst_hbm.at[pl.ds(base, CHUNK)], dst_buf,
                              sem_b).start()

    def wait_load(src_buf, dst_buf, sem_a, sem_b):
        pltpu.make_async_copy(src_hbm.at[pl.ds(ebase, CHUNK)], src_buf,
                              sem_a).wait()
        pltpu.make_async_copy(dst_hbm.at[pl.ds(ebase, CHUNK)], dst_buf,
                              sem_b).wait()

    def process(src_buf, dst_buf, cur0):
        @plsc.parallel_loop(0, NGROUP, unroll=8)
        def _(g):
            d16 = dst_buf[pl.ds(g * 16, 16)]
            w16 = plsc.load_gather(lut_v, [lax.shift_right_logical(d16, 1)])
            shmt = (d16 & 1) * 16
            half_buf[pl.ds(g * 16, 16)] = (
                lax.shift_right_logical(w16, shmt) & NOT_TGT)

        def grp(g2, cur):
            half_a = half_buf[pl.ds(g2 * 32, 16)]
            half_b = half_buf[pl.ds(g2 * 32 + 16, 16)]
            m_a = half_a != NOT_TGT
            m_b = half_b != NOT_TGT

            def hit(cur):
                def emit(off, half, m, cur):
                    def go(cur):
                        cur = lax.cond(cur > K - 16, flush, lambda c: c, cur)
                        s16 = src_buf[pl.ds(g2 * 32 + off, 16)]
                        plsc.store_compressed(sbuf_v.at[pl.ds(cur, 16)],
                                              s16, mask=m)
                        plsc.store_compressed(slbuf_v.at[pl.ds(cur, 16)],
                                              half, mask=m)
                        return cur + jnp.sum(m.astype(jnp.int32))
                    return lax.cond(jnp.any(m), go, lambda c: c, cur)
                cur = emit(0, half_a, m_a, cur)
                return emit(16, half_b, m_b, cur)

            return lax.cond(jnp.any(m_a | m_b), hit, lambda c: c, cur)

        return lax.fori_loop(0, NGROUP // 2, grp, cur0)

    start_load(0, srcc_v.at[0], dstc_v.at[0], sem0, sem1)

    def pair_body(h, cur):
        c0 = 2 * h
        wait_load(srcc_v.at[0], dstc_v.at[0], sem0, sem1)
        start_load(c0 + 1, srcc_v.at[1], dstc_v.at[1], sem2, sem3)
        cur = process(srcc_v.at[0], dstc_v.at[0], cur)
        wait_load(srcc_v.at[1], dstc_v.at[1], sem2, sem3)

        @pl.when(c0 + 2 < NCHUNK)
        def _():
            start_load(c0 + 2, srcc_v.at[0], dstc_v.at[0], sem0, sem1)
        return process(srcc_v.at[1], dstc_v.at[1], cur)

    lax.fori_loop(0, NCHUNK // 2, pair_body, 0)
    flush(0)

    plsc.subcore_barrier()

    @pl.when(sid == 0)
    def _():
        pltpu.sync_copy(acc_sh, acc_out.at[cid])
        pltpu.sync_copy(cnt_sh, cnt_out.at[cid])

    tbase = wid * TGT_PER_TILE
    pltpu.sync_copy(tgt_hbm.at[pl.ds(tbase, TGT_PER_TILE)], ti_v)
    pltpu.sync_copy(y_hbm.at[ti_v], tr_v)
    pltpu.sync_copy(tr_v, yt_out.at[pl.ds(tbase, TGT_PER_TILE)])


@functools.cache
def _make_sc_aggregate():
    return pl.kernel(
        _sc_body,
        out_type=(
            jax.ShapeDtypeStruct((NC, ACC_ROWS, HID), jnp.float32),
            jax.ShapeDtypeStruct((NC, ACC_ROWS, 16), jnp.float32),
            jax.ShapeDtypeStruct((NT, HID), jnp.float32),
        ),
        mesh=plsc.VectorSubcoreMesh(core_axis_name="c", subcore_axis_name="s"),
        compiler_params=pltpu.CompilerParams(needs_layout_passes=False,
                                             use_tc_tiling_on_sc=False),
        scratch_types=[
            pltpu.VMEM((N_NODES // 2,), jnp.int32),
            pltpu.VMEM((2, CHUNK), jnp.int32),
            pltpu.VMEM((2, CHUNK), jnp.int32),
            pltpu.VMEM((CHUNK,), jnp.int32),
            pltpu.VMEM((K,), jnp.int32),
            pltpu.VMEM((K,), jnp.int32),
            pltpu.VMEM((K, HID), jnp.float32),
            pltpu.VMEM((K, 16), jnp.float32),
            pltpu.VMEM((TGT_PER_TILE,), jnp.int32),
            pltpu.VMEM((TGT_PER_TILE, HID), jnp.float32),
            pltpu.SemaphoreType.DMA,
            pltpu.SemaphoreType.DMA,
            pltpu.SemaphoreType.DMA,
            pltpu.SemaphoreType.DMA,
            pltpu.VMEM_SHARED((ACC_ROWS, HID), jnp.float32),
            pltpu.VMEM_SHARED((ACC_ROWS, 16), jnp.float32),
        ],
    )


def _head_body(acc_ref, cnt_ref, sm_ref, yt_ref, wh_ref, bh_ref, bc_ref,
               o_ref):
    acc = acc_ref[0] + acc_ref[1]
    cntc = cnt_ref[0] + cnt_ref[1]
    cnt = cntc[:, 0:1]
    sm = sm_ref[...]
    iota_s = lax.broadcasted_iota(jnp.int32, (NT, ACC_ROWS), 1)
    p = (iota_s == sm).astype(jnp.float32)
    acc_t = jnp.dot(p, acc, preferred_element_type=jnp.float32)
    cnt_t = jnp.dot(p, cnt, preferred_element_type=jnp.float32)
    mean_t = acc_t * ALPHA / jnp.maximum(cnt_t, 1.0)
    h = jax.nn.relu(mean_t + yt_ref[...] + bc_ref[...])
    z = jnp.dot(h, wh_ref[...], preferred_element_type=jnp.float32)
    z = z + bh_ref[...]
    col = lax.broadcasted_iota(jnp.int32, (NT, 8), 1)
    o_ref[...] = jnp.where(col < 3, jax.nn.sigmoid(z), z)


def _heads(acc, cnt, slot_map, yt, wh, bh, bc):
    return pl.pallas_call(
        _head_body,
        out_shape=jax.ShapeDtypeStruct((NT, 8), jnp.float32),
    )(acc, cnt, slot_map, yt, wh, bh, bc)


@jax.jit
def kernel(x, edge_index, target_node_index, W_conv, b_conv, W_mu, b_mu,
           W_c, b_c):
    src = edge_index[0].astype(jnp.int32)
    dst = edge_index[1].astype(jnp.int32)
    tgt = target_node_index.astype(jnp.int32)

    y = _project(x, W_conv.T)

    lut = jnp.full((N_NODES,), -1, jnp.int32)
    lut = lut.at[tgt].set(jnp.arange(NT, dtype=jnp.int32))
    slot_map = lut[tgt].reshape(NT, 1)
    lutu = jnp.where(lut < 0, NOT_TGT, lut).astype(jnp.uint32)
    lut_packed = lax.bitcast_convert_type(
        lutu[0::2] | (lutu[1::2] << jnp.uint32(16)), jnp.int32)

    z64 = jnp.zeros((ACC_ROWS, HID), jnp.float32)
    z16 = jnp.zeros((ACC_ROWS, 16), jnp.float32)
    ones = jnp.ones((K, 16), jnp.float32)

    acc, cnt, yt = _make_sc_aggregate()(src, dst, lut_packed, y, tgt, z64,
                                        z16, ones)

    wh = jnp.zeros((8, HID), jnp.float32)
    wh = wh.at[0:3].set(W_mu).at[3].set(W_c[0])
    bh = jnp.zeros((1, 8), jnp.float32)
    bh = bh.at[0, 0:3].set(b_mu).at[0, 3].set(b_c[0])

    o = _heads(acc, cnt, slot_map, yt, wh.T, bh, b_conv.reshape(1, HID))

    mu = o[:, 0:3]
    state_value = o[:, 3:4]
    std = jnp.asarray(1e-05, dtype=jnp.float32)
    return (mu, std, state_value)

# --- scband reference (transcript-rebuilt; emitter-appended) ---
"""Pipeline reference for scband-actor-critic-network-30305289241257 (READ-ONLY COPY).

The authoritative reference and input builder live on the scoring server;
editing this copy changes nothing except your own understanding.
"""

import jax, jax.numpy as jnp
import numpy as np

N_NODES = 100000
IN_CH = 768
HID = 64
NUM_ACTIONS = 3
N_EDGES = 3200000
ALPHA = 0.0001

def setup_inputs(seed: int = 0) -> dict:
    key = jax.random.key(seed)
    k1, k2, k3, k4, k5, k6, k7, k8, k9, k10, k11, k12 = jax.random.split(key, 12)
    x = jax.random.normal(k1, (N_NODES, IN_CH), dtype=jnp.float32)
    edge_index = jax.random.randint(k2, (2, N_EDGES), 0, N_NODES, dtype=jnp.int64)
    target_node_index = jax.random.randint(k3, (1024,), 0, N_NODES, dtype=jnp.int64)
    # conv1.linear: Linear(in_channels, hidden_channels)
    W_conv = jax.random.normal(k4, (HID, IN_CH), dtype=jnp.float32) * (1.0 / np.sqrt(IN_CH))
    b_conv = jax.random.normal(k5, (HID,), dtype=jnp.float32) * 0.01
    # mu_layer: Linear(hidden, num_actions)
    W_mu = jax.random.normal(k6, (NUM_ACTIONS, HID), dtype=jnp.float32) * (1.0 / np.sqrt(HID))
    b_mu = jax.random.normal(k7, (NUM_ACTIONS,), dtype=jnp.float32) * 0.01
    # critic: Linear(hidden, 1)
    W_c = jax.random.normal(k8, (1, HID), dtype=jnp.float32) * (1.0 / np.sqrt(HID))
    b_c = jax.random.normal(k9, (1,), dtype=jnp.float32) * 0.01
    return {
        'x': x,
        'edge_index': edge_index,
        'target_node_index': target_node_index,
        'W_conv': W_conv, 'b_conv': b_conv,
        'W_mu': W_mu, 'b_mu': b_mu,
        'W_c': W_c, 'b_c': b_c,
    }

def reference(x, edge_index, target_node_index, W_conv, b_conv, W_mu, b_mu, W_c, b_c):
    src = edge_index[0]
    dst = edge_index[1]
    # message: alpha * x_j  (x_j gathered from src)
    msgs = ALPHA * jnp.take(x, src, axis=0)
    # aggr='mean': scatter-mean over dst
    summed = jax.ops.segment_sum(msgs, dst, num_segments=N_NODES)
    counts = jax.ops.segment_sum(jnp.ones((src.shape[0],), dtype=jnp.float32), dst, num_segments=N_NODES)
    mean_aggr = summed / jnp.maximum(counts, 1.0)[:, None]
    # update: linear(aggr_out + x)
    h = (mean_aggr + x) @ W_conv.T + b_conv
    h = jax.nn.relu(h)
    h_t = jnp.take(h, target_node_index, axis=0)
    mu = jax.nn.sigmoid(h_t @ W_mu.T + b_mu)
    std = jnp.asarray(1e-05, dtype=jnp.float32)
    state_value = h_t @ W_c.T + b_c
    return (mu, std, state_value)

if __name__ == "__main__":
    import jax
    _d = setup_inputs()
    print(jax.jit(kernel)(*tuple(_d.values())))

</pallas_src>

<mosaic_0001>
#map = affine_map<(d0, d1) -> (0)>
#map1 = affine_map<(d0, d1) -> (0, 0)>
#map2 = affine_map<(d0, d1) -> (0, 0, 0)>
module attributes {stable_mosaic.version = 14 : i64} {
  func.func @_sc_body(%arg0: i32, %arg1: i32, %arg2: memref<3200000xi32, #tpu.memory_space<hbm>>, %arg3: memref<3200000xi32, #tpu.memory_space<hbm>>, %arg4: memref<50000xi32, #tpu.memory_space<hbm>>, %arg5: memref<100000x64xf32, #tpu.memory_space<hbm>>, %arg6: memref<1024xi32, #tpu.memory_space<hbm>>, %arg7: memref<1032x64xf32, #tpu.memory_space<hbm>>, %arg8: memref<1032x16xf32, #tpu.memory_space<hbm>>, %arg9: memref<128x16xf32, #tpu.memory_space<hbm>>, %arg10: memref<2x1032x64xf32, #tpu.memory_space<hbm>>, %arg11: memref<2x1032x16xf32, #tpu.memory_space<hbm>>, %arg12: memref<1024x64xf32, #tpu.memory_space<hbm>>, %arg13: memref<50000xi32, #tpu.memory_space<vmem>>, %arg14: memref<2x10000xi32, #tpu.memory_space<vmem>>, %arg15: memref<2x10000xi32, #tpu.memory_space<vmem>>, %arg16: memref<10000xi32, #tpu.memory_space<vmem>>, %arg17: memref<128xi32, #tpu.memory_space<vmem>>, %arg18: memref<128xi32, #tpu.memory_space<vmem>>, %arg19: memref<128x64xf32, #tpu.memory_space<vmem>>, %arg20: memref<128x16xf32, #tpu.memory_space<vmem>>, %arg21: memref<32xi32, #tpu.memory_space<vmem>>, %arg22: memref<32x64xf32, #tpu.memory_space<vmem>>, %arg23: memref<!tpu.dma_semaphore, #tpu.memory_space<semaphore_mem>>, %arg24: memref<!tpu.dma_semaphore, #tpu.memory_space<semaphore_mem>>, %arg25: memref<!tpu.dma_semaphore, #tpu.memory_space<semaphore_mem>>, %arg26: memref<!tpu.dma_semaphore, #tpu.memory_space<semaphore_mem>>, %arg27: memref<1032x64xf32, #tpu.memory_space<vmem_shared>>, %arg28: memref<1032x16xf32, #tpu.memory_space<vmem_shared>>) attributes {dimension_semantics = [#tpu.dimension_semantics<core_parallel>, #tpu.dimension_semantics<subcore_parallel>], iteration_bounds = array<i64: 2, 16>, scalar_prefetch = 0 : i64, scratch_operands = 16 : i64, tpu.core_type = #tpu.core_type<sc_vector_subcore>, window_params = [{transform_indices = #map}, {transform_indices = #map}, {transform_indices = #map}, {transform_indices = #map1}, {transform_indices = #map}, {transform_indices = #map1}, {transform_indices = #map1}, {transform_indices = #map1}, {transform_indices = #map2}, {transform_indices = #map2}, {transform_indices = #map1}]} {
    %mul3A = arith.constant 2 : i32
    %mul3A_0 = arith.muli %arg1, %mul3A : i32
    %add3A = arith.addi %mul3A_0, %arg0 : i32
    %eq3A = arith.constant 0 : i32
    %eq3A_1 = arith.cmpi eq, %arg1, %eq3A : i32
    %convert_element_type3A = arith.extui %eq3A_1 : i1 to i32
    %cond3A = arith.constant 0 : i32
    %cond3A_2 = arith.cmpi ne, %convert_element_type3A, %cond3A : i32
    scf.if %cond3A_2 {
      "tpu.region"() ({
        %run_scoped3A = tpu.sem_alloc : memref<!tpu.dma_semaphore, #tpu.memory_space<semaphore_mem>>
        tpu.enqueue_dma source(%arg7 : memref<1032x64xf32, #tpu.memory_space<hbm>>) target(%arg27 : memref<1032x64xf32, #tpu.memory_space<vmem_shared>>) target_semaphore(%run_scoped3A : memref<!tpu.dma_semaphore, #tpu.memory_space<semaphore_mem>>)
        tpu.wait_dma2 semaphore(%run_scoped3A : memref<!tpu.dma_semaphore, #tpu.memory_space<semaphore_mem>>) src(%arg7 : memref<1032x64xf32, #tpu.memory_space<hbm>>) dst(%arg27 : memref<1032x64xf32, #tpu.memory_space<vmem_shared>>)
        tpu.yield
      }) : () -> ()
      "tpu.region"() ({
        %run_scoped3A = tpu.sem_alloc : memref<!tpu.dma_semaphore, #tpu.memory_space<semaphore_mem>>
        tpu.enqueue_dma source(%arg8 : memref<1032x16xf32, #tpu.memory_space<hbm>>) target(%arg28 : memref<1032x16xf32, #tpu.memory_space<vmem_shared>>) target_semaphore(%run_scoped3A : memref<!tpu.dma_semaphore, #tpu.memory_space<semaphore_mem>>)
        tpu.wait_dma2 semaphore(%run_scoped3A : memref<!tpu.dma_semaphore, #tpu.memory_space<semaphore_mem>>) src(%arg8 : memref<1032x16xf32, #tpu.memory_space<hbm>>) dst(%arg28 : memref<1032x16xf32, #tpu.memory_space<vmem_shared>>)
        tpu.yield
      }) : () -> ()
    } else {
    }
    %barrier3A = arith.constant 0 : index
    tpu.barrier barrier_id(%barrier3A)
    "tpu.region"() ({
      %run_scoped3A = tpu.sem_alloc : memref<!tpu.dma_semaphore, #tpu.memory_space<semaphore_mem>>
      tpu.enqueue_dma source(%arg4 : memref<50000xi32, #tpu.memory_space<hbm>>) target(%arg13 : memref<50000xi32, #tpu.memory_space<vmem>>) target_semaphore(%run_scoped3A : memref<!tpu.dma_semaphore, #tpu.memory_space<semaphore_mem>>)
      tpu.wait_dma2 semaphore(%run_scoped3A : memref<!tpu.dma_semaphore, #tpu.memory_space<semaphore_mem>>) src(%arg4 : memref<50000xi32, #tpu.memory_space<hbm>>) dst(%arg13 : memref<50000xi32, #tpu.memory_space<vmem>>)
      tpu.yield
    }) : () -> ()
    "tpu.region"() ({
      %run_scoped3A = tpu.sem_alloc : memref<!tpu.dma_semaphore, #tpu.memory_space<semaphore_mem>>
      tpu.enqueue_dma source(%arg9 : memref<128x16xf32, #tpu.memory_space<hbm>>) target(%arg20 : memref<128x16xf32, #tpu.memory_space<vmem>>) target_semaphore(%run_scoped3A : memref<!tpu.dma_semaphore, #tpu.memory_space<semaphore_mem>>)
      tpu.wait_dma2 semaphore(%run_scoped3A : memref<!tpu.dma_semaphore, #tpu.memory_space<semaphore_mem>>) src(%arg9 : memref<128x16xf32, #tpu.memory_space<hbm>>) dst(%arg20 : memref<128x16xf32, #tpu.memory_space<vmem>>)
      tpu.yield
    }) : () -> ()
    %broadcast_in_dim3A = arith.constant 0 : i32
    %broadcast_in_dim3A_3 = vector.broadcast %broadcast_in_dim3A : i32 to vector<16xi32>
    %broadcast_in_dim3A_4 = arith.constant 1024 : i32
    %broadcast_in_dim3A_5 = vector.broadcast %broadcast_in_dim3A_4 : i32 to vector<16xi32>
    %swap3A = arith.constant 0 : index
    %swap3A_6 = tpu.vector_load %arg17[%swap3A] {strides = array<i32>} : memref<128xi32, #tpu.memory_space<vmem>>, vector<16xi32>,
    tpu.vector_store %arg17[%swap3A], %broadcast_in_dim3A_3 {strides = array<i32>} : memref<128xi32, #tpu.memory_space<vmem>>, vector<16xi32>,
    %swap3A_7 = arith.constant 0 : index
    %swap3A_8 = tpu.vector_load %arg18[%swap3A_7] {strides = array<i32>} : memref<128xi32, #tpu.memory_space<vmem>>, vector<16xi32>,
    tpu.vector_store %arg18[%swap3A_7], %broadcast_in_dim3A_5 {strides = array<i32>} : memref<128xi32, #tpu.memory_space<vmem>>, vector<16xi32>,
    %swap3A_9 = arith.constant 16 : index
    %swap3A_10 = tpu.vector_load %arg17[%swap3A_9] {strides = array<i32>} : memref<128xi32, #tpu.memory_space<vmem>>, vector<16xi32>,
    tpu.vector_store %arg17[%swap3A_9], %broadcast_in_dim3A_3 {strides = array<i32>} : memref<128xi32, #tpu.memory_space<vmem>>, vector<16xi32>,
    %swap3A_11 = arith.constant 16 : index
    %swap3A_12 = tpu.vector_load %arg18[%swap3A_11] {strides = array<i32>} : memref<128xi32, #tpu.memory_space<vmem>>, vector<16xi32>,
    tpu.vector_store %arg18[%swap3A_11], %broadcast_in_dim3A_5 {strides = array<i32>} : memref<128xi32, #tpu.memory_space<vmem>>, vector<16xi32>,
    %swap3A_13 = arith.constant 32 : index
    %swap3A_14 = tpu.vector_load %arg17[%swap3A_13] {strides = array<i32>} : memref<128xi32, #tpu.memory_space<vmem>>, vector<16xi32>,
    tpu.vector_store %arg17[%swap3A_13], %broadcast_in_dim3A_3 {strides = array<i32>} : memref<128xi32, #tpu.memory_space<vmem>>, vector<16xi32>,
    %swap3A_15 = arith.constant 32 : index
    %swap3A_16 = tpu.vector_load %arg18[%swap3A_15] {strides = array<i32>} : memref<128xi32, #tpu.memory_space<vmem>>, vector<16xi32>,
    tpu.vector_store %arg18[%swap3A_15], %broadcast_in_dim3A_5 {strides = array<i32>} : memref<128xi32, #tpu.memory_space<vmem>>, vector<16xi32>,
    %swap3A_17 = arith.constant 48 : index
    %swap3A_18 = tpu.vector_load %arg17[%swap3A_17] {strides = array<i32>} : memref<128xi32, #tpu.memory_space<vmem>>, vector<16xi32>,
    tpu.vector_store %arg17[%swap3A_17], %broadcast_in_dim3A_3 {strides = array<i32>} : memref<128xi32, #tpu.memory_space<vmem>>, vector<16xi32>,
    %swap3A_19 = arith.constant 48 : index
    %swap3A_20 = tpu.vector_load %arg18[%swap3A_19] {strides = array<i32>} : memref<128xi32, #tpu.memory_space<vmem>>, vector<16xi32>,
    tpu.vector_store %arg18[%swap3A_19], %broadcast_in_dim3A_5 {strides = array<i32>} : memref<128xi32, #tpu.memory_space<vmem>>, vector<16xi32>,
    %swap3A_21 = arith.constant 64 : index
    %swap3A_22 = tpu.vector_load %arg17[%swap3A_21] {strides = array<i32>} : memref<128xi32, #tpu.memory_space<vmem>>, vector<16xi32>,
    tpu.vector_store %arg17[%swap3A_21], %broadcast_in_dim3A_3 {strides = array<i32>} : memref<128xi32, #tpu.memory_space<vmem>>, vector<16xi32>,
    %swap3A_23 = arith.constant 64 : index
    %swap3A_24 = tpu.vector_load %arg18[%swap3A_23] {strides = array<i32>} : memref<128xi32, #tpu.memory_space<vmem>>, vector<16xi32>,
    tpu.vector_store %arg18[%swap3A_23], %broadcast_in_dim3A_5 {strides = array<i32>} : memref<128xi32, #tpu.memory_space<vmem>>, vector<16xi32>,
    %swap3A_25 = arith.constant 80 : index
    %swap3A_26 = tpu.vector_load %arg17[%swap3A_25] {strides = array<i32>} : memref<128xi32, #tpu.memory_space<vmem>>, vector<16xi32>,
    tpu.vector_store %arg17[%swap3A_25], %broadcast_in_dim3A_3 {strides = array<i32>} : memref<128xi32, #tpu.memory_space<vmem>>, vector<16xi32>,
    %swap3A_27 = arith.constant 80 : index
    %swap3A_28 = tpu.vector_load %arg18[%swap3A_27] {strides = array<i32>} : memref<128xi32, #tpu.memory_space<vmem>>, vector<16xi32>,
    tpu.vector_store %arg18[%swap3A_27], %broadcast_in_dim3A_5 {strides = array<i32>} : memref<128xi32, #tpu.memory_space<vmem>>, vector<16xi32>,
    %swap3A_29 = arith.constant 96 : index
    %swap3A_30 = tpu.vector_load %arg17[%swap3A_29] {strides = array<i32>} : memref<128xi32, #tpu.memory_space<vmem>>, vector<16xi32>,
    tpu.vector_store %arg17[%swap3A_29], %broadcast_in_dim3A_3 {strides = array<i32>} : memref<128xi32, #tpu.memory_space<vmem>>, vector<16xi32>,
    %swap3A_31 = arith.constant 96 : index
    %swap3A_32 = tpu.vector_load %arg18[%swap3A_31] {strides = array<i32>} : memref<128xi32, #tpu.memory_space<vmem>>, vector<16xi32>,
    tpu.vector_store %arg18[%swap3A_31], %broadcast_in_dim3A_5 {strides = array<i32>} : memref<128xi32, #tpu.memory_space<vmem>>, vector<16xi32>,
    %swap3A_33 = arith.constant 112 : index
    %swap3A_34 = tpu.vector_load %arg17[%swap3A_33] {strides = array<i32>} : memref<128xi32, #tpu.memory_space<vmem>>, vector<16xi32>,
    tpu.vector_store %arg17[%swap3A_33], %broadcast_in_dim3A_3 {strides = array<i32>} : memref<128xi32, #tpu.memory_space<vmem>>, vector<16xi32>,
    %swap3A_35 = arith.constant 112 : index
    %swap3A_36 = tpu.vector_load %arg18[%swap3A_35] {strides = array<i32>} : memref<128xi32, #tpu.memory_space<vmem>>, vector<16xi32>,
    tpu.vector_store %arg18[%swap3A_35], %broadcast_in_dim3A_5 {strides = array<i32>} : memref<128xi32, #tpu.memory_space<vmem>>, vector<16xi32>,
    %mul3A_37 = arith.constant 100000 : i32
    %mul3A_38 = arith.muli %add3A, %mul3A_37 : i32
    %add3A_39 = arith.constant 0 : i32
    %add3A_40 = arith.addi %mul3A_38, %add3A_39 : i32
    %dma_start3A = arith.constant 0 : i32
    %dma_start3A_41 = arith.constant 0 : i32
    %dma_start3A_42 = tpu.memref_slice %arg14[%dma_start3A, %dma_start3A_41] : memref<2x10000xi32, #tpu.memory_space<vmem>> -> memref<1x10000xi32, #tpu.memory_space<vmem>>
    %dma_start3A_43 = tpu.memref_squeeze %dma_start3A_42 : memref<1x10000xi32, #tpu.memory_space<vmem>> -> memref<10000xi32, #tpu.memory_space<vmem>>
    %dma_start3A_44 = tpu.memref_slice %arg2[%add3A_40] : memref<3200000xi32, #tpu.memory_space<hbm>> -> memref<10000xi32, #tpu.memory_space<hbm>>
    %dma_start3A_45 = arith.constant 0 : i32
    %dma_start3A_46 = tpu.memref_slice %arg14[%dma_start3A, %dma_start3A_45] : memref<2x10000xi32, #tpu.memory_space<vmem>> -> memref<1x10000xi32, #tpu.memory_space<vmem>>
    %dma_start3A_47 = tpu.memref_squeeze %dma_start3A_46 : memref<1x10000xi32, #tpu.memory_space<vmem>> -> memref<10000xi32, #tpu.memory_space<vmem>>
    %dma_start3A_48 = tpu.memref_slice %arg2[%add3A_40] : memref<3200000xi32, #tpu.memory_space<hbm>> -> memref<10000xi32, #tpu.memory_space<hbm>>
    tpu.enqueue_dma source(%dma_start3A_48 : memref<10000xi32, #tpu.memory_space<hbm>>) target(%dma_start3A_47 : memref<10000xi32, #tpu.memory_space<vmem>>) target_semaphore(%arg23 : memref<!tpu.dma_semaphore, #tpu.memory_space<semaphore_mem>>)
    %dma_start3A_49 = arith.constant 0 : i32
    %dma_start3A_50 = arith.constant 0 : i32
    %dma_start3A_51 = tpu.memref_slice %arg15[%dma_start3A_49, %dma_start3A_50] : memref<2x10000xi32, #tpu.memory_space<vmem>> -> memref<1x10000xi32, #tpu.memory_space<vmem>>
    %dma_start3A_52 = tpu.memref_squeeze %dma_start3A_51 : memref<1x10000xi32, #tpu.memory_space<vmem>> -> memref<10000xi32, #tpu.memory_space<vmem>>
    %dma_start3A_53 = tpu.memref_slice %arg3[%add3A_40] : memref<3200000xi32, #tpu.memory_space<hbm>> -> memref<10000xi32, #tpu.memory_space<hbm>>
    %dma_start3A_54 = arith.constant 0 : i32
    %dma_start3A_55 = tpu.memref_slice %arg15[%dma_start3A_49, %dma_start3A_54] : memref<2x10000xi32, #tpu.memory_space<vmem>> -> memref<1x10000xi32, #tpu.memory_space<vmem>>
    %dma_start3A_56 = tpu.memref_squeeze %dma_start3A_55 : memref<1x10000xi32, #tpu.memory_space<vmem>> -> memref<10000xi32, #tpu.memory_space<vmem>>
    %dma_start3A_57 = tpu.memref_slice %arg3[%add3A_40] : memref<3200000xi32, #tpu.memory_space<hbm>> -> memref<10000xi32, #tpu.memory_space<hbm>>
    tpu.enqueue_dma source(%dma_start3A_57 : memref<10000xi32, #tpu.memory_space<hbm>>) target(%dma_start3A_56 : memref<10000xi32, #tpu.memory_space<vmem>>) target_semaphore(%arg24 : memref<!tpu.dma_semaphore, #tpu.memory_space<semaphore_mem>>)
    %scan3A = arith.constant 0 : i32
    %scan3A_58 = arith.constant 0 : i32
    %scan3A_59 = arith.constant 5 : i32
    %scan3A_60 = arith.addi %scan3A_58, %scan3A_59 : i32
    %scan3A_61 = arith.constant 1 : i32
    %scan3A_62 = scf.for %scan3A_88 = %scan3A_58 to %scan3A_60 step %scan3A_61 iter_args(%scan3A_89 = %scan3A) -> (i32)  : i32 {
      %mul3A_90 = arith.constant 2 : i32
      %mul3A_91 = arith.muli %mul3A_90, %scan3A_88 : i32
      %dma_wait3A = arith.constant 0 : i32
      %dma_wait3A_92 = arith.constant 0 : i32
      %dma_wait3A_93 = tpu.memref_slice %arg14[%dma_wait3A, %dma_wait3A_92] : memref<2x10000xi32, #tpu.memory_space<vmem>> -> memref<1x10000xi32, #tpu.memory_space<vmem>>
      %dma_wait3A_94 = tpu.memref_squeeze %dma_wait3A_93 : memref<1x10000xi32, #tpu.memory_space<vmem>> -> memref<10000xi32, #tpu.memory_space<vmem>>
      %dma_wait3A_95 = tpu.memref_slice %arg2[%mul3A_38] : memref<3200000xi32, #tpu.memory_space<hbm>> -> memref<10000xi32, #tpu.memory_space<hbm>>
      %dma_wait3A_96 = arith.constant 0 : i32
      %dma_wait3A_97 = tpu.memref_slice %arg14[%dma_wait3A, %dma_wait3A_96] : memref<2x10000xi32, #tpu.memory_space<vmem>> -> memref<1x10000xi32, #tpu.memory_space<vmem>>
      %dma_wait3A_98 = tpu.memref_squeeze %dma_wait3A_97 : memref<1x10000xi32, #tpu.memory_space<vmem>> -> memref<10000xi32, #tpu.memory_space<vmem>>
      %dma_wait3A_99 = tpu.memref_slice %arg2[%mul3A_38] : memref<3200000xi32, #tpu.memory_space<hbm>> -> memref<10000xi32, #tpu.memory_space<hbm>>
      tpu.wait_dma2 semaphore(%arg23 : memref<!tpu.dma_semaphore, #tpu.memory_space<semaphore_mem>>) src(%dma_wait3A_99 : memref<10000xi32, #tpu.memory_space<hbm>>) dst(%dma_wait3A_98 : memref<10000xi32, #tpu.memory_space<vmem>>)
      %dma_wait3A_100 = arith.constant 0 : i32
      %dma_wait3A_101 = arith.constant 0 : i32
      %dma_wait3A_102 = tpu.memref_slice %arg15[%dma_wait3A_100, %dma_wait3A_101] : memref<2x10000xi32, #tpu.memory_space<vmem>> -> memref<1x10000xi32, #tpu.memory_space<vmem>>
      %dma_wait3A_103 = tpu.memref_squeeze %dma_wait3A_102 : memref<1x10000xi32, #tpu.memory_space<vmem>> -> memref<10000xi32, #tpu.memory_space<vmem>>
      %dma_wait3A_104 = tpu.memref_slice %arg3[%mul3A_38] : memref<3200000xi32, #tpu.memory_space<hbm>> -> memref<10000xi32, #tpu.memory_space<hbm>>
      %dma_wait3A_105 = arith.constant 0 : i32
      %dma_wait3A_106 = tpu.memref_slice %arg15[%dma_wait3A_100, %dma_wait3A_105] : memref<2x10000xi32, #tpu.memory_space<vmem>> -> memref<1x10000xi32, #tpu.memory_space<vmem>>
      %dma_wait3A_107 = tpu.memref_squeeze %dma_wait3A_106 : memref<1x10000xi32, #tpu.memory_space<vmem>> -> memref<10000xi32, #tpu.memory_space<vmem>>
      %dma_wait3A_108 = tpu.memref_slice %arg3[%mul3A_38] : memref<3200000xi32, #tpu.memory_space<hbm>> -> memref<10000xi32, #tpu.memory_space<hbm>>
      tpu.wait_dma2 semaphore(%arg24 : memref<!tpu.dma_semaphore, #tpu.memory_space<semaphore_mem>>) src(%dma_wait3A_108 : memref<10000xi32, #tpu.memory_space<hbm>>) dst(%dma_wait3A_107 : memref<10000xi32, #tpu.memory_space<vmem>>)
      %add3A_109 = arith.constant 1 : i32
      %add3A_110 = arith.addi %mul3A_91, %add3A_109 : i32
      %mul3A_111 = arith.constant 10000 : i32
      %mul3A_112 = arith.muli %add3A_110, %mul3A_111 : i32
      %add3A_113 = arith.addi %mul3A_38, %mul3A_112 : i32
      %dma_start3A_114 = arith.constant 1 : i32
      %dma_start3A_115 = arith.constant 0 : i32
      %dma_start3A_116 = tpu.memref_slice %arg14[%dma_start3A_114, %dma_start3A_115] : memref<2x10000xi32, #tpu.memory_space<vmem>> -> memref<1x10000xi32, #tpu.memory_space<vmem>>
      %dma_start3A_117 = tpu.memref_squeeze %dma_start3A_116 : memref<1x10000xi32, #tpu.memory_space<vmem>> -> memref<10000xi32, #tpu.memory_space<vmem>>
      %dma_start3A_118 = tpu.memref_slice %arg2[%add3A_113] : memref<3200000xi32, #tpu.memory_space<hbm>> -> memref<10000xi32, #tpu.memory_space<hbm>>
      %dma_start3A_119 = arith.constant 0 : i32
      %dma_start3A_120 = tpu.memref_slice %arg14[%dma_start3A_114, %dma_start3A_119] : memref<2x10000xi32, #tpu.memory_space<vmem>> -> memref<1x10000xi32, #tpu.memory_space<vmem>>
      %dma_start3A_121 = tpu.memref_squeeze %dma_start3A_120 : memref<1x10000xi32, #tpu.memory_space<vmem>> -> memref<10000xi32, #tpu.memory_space<vmem>>
      %dma_start3A_122 = tpu.memref_slice %arg2[%add3A_113] : memref<3200000xi32, #tpu.memory_space<hbm>> -> memref<10000xi32, #tpu.memory_space<hbm>>
      tpu.enqueue_dma source(%dma_start3A_122 : memref<10000xi32, #tpu.memory_space<hbm>>) target(%dma_start3A_121 : memref<10000xi32, #tpu.memory_space<vmem>>) target_semaphore(%arg25 : memref<!tpu.dma_semaphore, #tpu.memory_space<semaphore_mem>>)
      %dma_start3A_123 = arith.constant 1 : i32
      %dma_start3A_124 = arith.constant 0 : i32
      %dma_start3A_125 = tpu.memref_slice %arg15[%dma_start3A_123, %dma_start3A_124] : memref<2x10000xi32, #tpu.memory_space<vmem>> -> memref<1x10000xi32, #tpu.memory_space<vmem>>
      %dma_start3A_126 = tpu.memref_squeeze %dma_start3A_125 : memref<1x10000xi32, #tpu.memory_space<vmem>> -> memref<10000xi32, #tpu.memory_space<vmem>>
      %dma_start3A_127 = tpu.memref_slice %arg3[%add3A_113] : memref<3200000xi32, #tpu.memory_space<hbm>> -> memref<10000xi32, #tpu.memory_space<hbm>>
      %dma_start3A_128 = arith.constant 0 : i32
      %dma_start3A_129 = tpu.memref_slice %arg15[%dma_start3A_123, %dma_start3A_128] : memref<2x10000xi32, #tpu.memory_space<vmem>> -> memref<1x10000xi32, #tpu.memory_space<vmem>>
      %dma_start3A_130 = tpu.memref_squeeze %dma_start3A_129 : memref<1x10000xi32, #tpu.memory_space<vmem>> -> memref<10000xi32, #tpu.memory_space<vmem>>
      %dma_start3A_131 = tpu.memref_slice %arg3[%add3A_113] : memref<3200000xi32, #tpu.memory_space<hbm>> -> memref<10000xi32, #tpu.memory_space<hbm>>
      tpu.enqueue_dma source(%dma_start3A_131 : memref<10000xi32, #tpu.memory_space<hbm>>) target(%dma_start3A_130 : memref<10000xi32, #tpu.memory_space<vmem>>) target_semaphore(%arg26 : memref<!tpu.dma_semaphore, #tpu.memory_space<semaphore_mem>>)
      %parallel_loop3A = arith.constant 0 : i32
      %parallel_loop3A_132 = arith.constant 625 : i32
      %parallel_loop3A_133 = arith.constant 1 : i32
      %parallel_loop3A_134 = arith.constant 0 : i32
      scf.for %parallel_loop3A_177 = %parallel_loop3A to %parallel_loop3A_132 step %parallel_loop3A_133  : i32 {
        %parallel_loop3A_178 = arith.constant 16 : i32
        %parallel_loop3A_179 = arith.muli %parallel_loop3A_177, %parallel_loop3A_178 : i32
        %parallel_loop3A_180 = arith.constant 0 : i32
        %parallel_loop3A_181 = tpu.memref_slice %arg15[%parallel_loop3A_134, %parallel_loop3A_180] : memref<2x10000xi32, #tpu.memory_space<vmem>> -> memref<1x10000xi32, #tpu.memory_space<vmem>>
        %parallel_loop3A_182 = tpu.memref_squeeze %parallel_loop3A_181 : memref<1x10000xi32, #tpu.memory_space<vmem>> -> memref<10000xi32, #tpu.memory_space<vmem>>
        %parallel_loop3A_183 = arith.index_cast %parallel_loop3A_179 : i32 to index
        %parallel_loop3A_184 = tpu.vector_load %parallel_loop3A_182[%parallel_loop3A_183] {strides = array<i32>} : memref<10000xi32, #tpu.memory_space<vmem>>, vector<16xi32>,
        %parallel_loop3A_185 = arith.constant 1 : i32
        %parallel_loop3A_186 = vector.broadcast %parallel_loop3A_185 : i32 to vector<16xi32>
        %parallel_loop3A_187 = arith.shrui %parallel_loop3A_184, %parallel_loop3A_186 : vector<16xi32>
        %parallel_loop3A_188 = tpu.vector_load_idx %arg13[%parallel_loop3A_187] : memref<50000xi32, #tpu.memory_space<vmem>>[vector<16xi32>], vector<16xi32>,
        %parallel_loop3A_189 = arith.constant 1 : i32
        %parallel_loop3A_190 = vector.broadcast %parallel_loop3A_189 : i32 to vector<16xi32>
        %parallel_loop3A_191 = arith.andi %parallel_loop3A_184, %parallel_loop3A_190 : vector<16xi32>
        %parallel_loop3A_192 = arith.constant 16 : i32
        %parallel_loop3A_193 = vector.broadcast %parallel_loop3A_192 : i32 to vector<16xi32>
        %parallel_loop3A_194 = arith.muli %parallel_loop3A_191, %parallel_loop3A_193 : vector<16xi32>
        %parallel_loop3A_195 = arith.shrui %parallel_loop3A_188, %parallel_loop3A_194 : vector<16xi32>
        %parallel_loop3A_196 = arith.constant 65535 : i32
        %parallel_loop3A_197 = vector.broadcast %parallel_loop3A_196 : i32 to vector<16xi32>
        %parallel_loop3A_198 = arith.andi %parallel_loop3A_195, %parallel_loop3A_197 : vector<16xi32>
        %parallel_loop3A_199 = arith.constant 16 : i32
        %parallel_loop3A_200 = arith.muli %parallel_loop3A_177, %parallel_loop3A_199 : i32
        %parallel_loop3A_201 = arith.index_cast %parallel_loop3A_200 : i32 to index
        %parallel_loop3A_202 = tpu.vector_load %arg16[%parallel_loop3A_201] {strides = array<i32>} : memref<10000xi32, #tpu.memory_space<vmem>>, vector<16xi32>,
        tpu.vector_store %arg16[%parallel_loop3A_201], %parallel_loop3A_198 {strides = array<i32>} : memref<10000xi32, #tpu.memory_space<vmem>>, vector<16xi32>,
      } {sc.loop_unroll_factor = 8 : i64, sc.parallel_access}
      %scan3A_135 = arith.constant 0 : i32
      %scan3A_136 = arith.constant 0 : i32
      %scan3A_137 = arith.constant 312 : i32
      %scan3A_138 = arith.addi %scan3A_136, %scan3A_137 : i32
      %scan3A_139 = arith.constant 1 : i32
      %scan3A_140 = scf.for %scan3A_177 = %scan3A_136 to %scan3A_138 step %scan3A_139 iter_args(%scan3A_178 = %scan3A_89) -> (i32)  : i32 {
        %mul3A_179 = arith.constant 32 : i32
        %mul3A_180 = arith.muli %scan3A_177, %mul3A_179 : i32
        %get3A = arith.index_cast %mul3A_180 : i32 to index
        %get3A_181 = tpu.vector_load %arg16[%get3A] {strides = array<i32>} : memref<10000xi32, #tpu.memory_space<vmem>>, vector<16xi32>,
        %mul3A_182 = arith.constant 32 : i32
        %mul3A_183 = arith.muli %scan3A_177, %mul3A_182 : i32
        %add3A_184 = arith.constant 16 : i32
        %add3A_185 = arith.addi %mul3A_183, %add3A_184 : i32
        %get3A_186 = arith.index_cast %add3A_185 : i32 to index
        %get3A_187 = tpu.vector_load %arg16[%get3A_186] {strides = array<i32>} : memref<10000xi32, #tpu.memory_space<vmem>>, vector<16xi32>,
        %ne3A = arith.constant 65535 : i32
        %ne3A_188 = vector.broadcast %ne3A : i32 to vector<16xi32>
        %ne3A_189 = arith.cmpi ne, %get3A_181, %ne3A_188 : vector<16xi32>
        %ne3A_190 = arith.constant 65535 : i32
        %ne3A_191 = vector.broadcast %ne3A_190 : i32 to vector<16xi32>
        %ne3A_192 = arith.cmpi ne, %get3A_187, %ne3A_191 : vector<16xi32>
        %or3A = arith.ori %ne3A_189, %ne3A_192 : vector<16xi1>
        %reduce_or3A = arith.constant 1.000000e+00 : f32
        %reduce_or3A_193 = arith.constant 0.000000e+00 : f32
        %reduce_or3A_194 = vector.broadcast %reduce_or3A : f32 to vector<16xf32>
        %reduce_or3A_195 = vector.broadcast %reduce_or3A_193 : f32 to vector<16xf32>
        %reduce_or3A_196 = arith.select %or3A, %reduce_or3A_194, %reduce_or3A_195 : vector<16xi1>, vector<16xf32>
        %reduce_or3A_197 = arith.constant true
        %reduce_or3A_198 = vector.broadcast %reduce_or3A_197 : i1 to vector<16xi1>
        %reduce_or3A_199 = tpu.scan <max>, %reduce_or3A_196 masked %reduce_or3A_198 : vector<16xf32>, vector<16xi1> -> vector<16xf32>
        %reduce_or3A_200 = vector.extract %reduce_or3A_199[15] : f32 from vector<16xf32>
        %reduce_or3A_201 = arith.constant 0.000000e+00 : f32
        %reduce_or3A_202 = arith.cmpf ogt, %reduce_or3A_200, %reduce_or3A_201 : f32
        %convert_element_type3A_203 = arith.extui %reduce_or3A_202 : i1 to i32
        %cond3A_204 = arith.constant 0 : i32
        %cond3A_205 = arith.cmpi ne, %convert_element_type3A_203, %cond3A_204 : i32
        %cond3A_206 = scf.if %cond3A_205 -> (i32) {
          %reduce_or3A_207 = arith.constant 1.000000e+00 : f32
          %reduce_or3A_208 = arith.constant 0.000000e+00 : f32
          %reduce_or3A_209 = vector.broadcast %reduce_or3A_207 : f32 to vector<16xf32>
          %reduce_or3A_210 = vector.broadcast %reduce_or3A_208 : f32 to vector<16xf32>
          %reduce_or3A_211 = arith.select %ne3A_189, %reduce_or3A_209, %reduce_or3A_210 : vector<16xi1>, vector<16xf32>
          %reduce_or3A_212 = arith.constant true
          %reduce_or3A_213 = vector.broadcast %reduce_or3A_212 : i1 to vector<16xi1>
          %reduce_or3A_214 = tpu.scan <max>, %reduce_or3A_211 masked %reduce_or3A_213 : vector<16xf32>, vector<16xi1> -> vector<16xf32>
          %reduce_or3A_215 = vector.extract %reduce_or3A_214[15] : f32 from vector<16xf32>
          %reduce_or3A_216 = arith.constant 0.000000e+00 : f32
          %reduce_or3A_217 = arith.cmpf ogt, %reduce_or3A_215, %reduce_or3A_216 : f32
          %convert_element_type3A_218 = arith.extui %reduce_or3A_217 : i1 to i32
          %cond3A_219 = arith.constant 0 : i32
          %cond3A_220 = arith.cmpi ne, %convert_element_type3A_218, %cond3A_219 : i32
          %cond3A_221 = scf.if %cond3A_220 -> (i32) {
            %gt3A = arith.constant 112 : i32
            %gt3A_237 = arith.cmpi sgt, %scan3A_178, %gt3A : i32
            %convert_element_type3A_238 = arith.extui %gt3A_237 : i1 to i32
            %cond3A_239 = arith.constant 0 : i32
            %cond3A_240 = arith.cmpi ne, %convert_element_type3A_238, %cond3A_239 : i32
            %cond3A_241 = scf.if %cond3A_240 -> (i32) {
              "tpu.region"() ({
                %run_scoped3A = tpu.sem_alloc : memref<!tpu.dma_semaphore, #tpu.memory_space<semaphore_mem>>
                %dma_start3A_277 = arith.constant 0 : i32
                %dma_start3A_278 = arith.constant 0 : i32
                %dma_start3A_279 = tpu.memref_slice %arg5[%dma_start3A_277, %dma_start3A_278] : memref<100000x64xf32, #tpu.memory_space<hbm>> -> memref<100000x64xf32, #tpu.memory_space<hbm>>
                tpu.enqueue_indirect_dma source(%dma_start3A_279 : memref<100000x64xf32, #tpu.memory_space<hbm>>) target(%arg19 : memref<128x64xf32, #tpu.memory_space<vmem>>) offsets(%arg17 : memref<128xi32, #tpu.memory_space<vmem>>) semaphore(%run_scoped3A : memref<!tpu.dma_semaphore, #tpu.memory_space<semaphore_mem>>)
                %dma_wait3A_280 = arith.constant 0 : i32
                %dma_wait3A_281 = arith.constant 0 : i32
                %dma_wait3A_282 = tpu.memref_slice %arg5[%dma_wait3A_280, %dma_wait3A_281] : memref<100000x64xf32, #tpu.memory_space<hbm>> -> memref<100000x64xf32, #tpu.memory_space<hbm>>
                tpu.wait_indirect_dma semaphore(%run_scoped3A : memref<!tpu.dma_semaphore, #tpu.memory_space<semaphore_mem>>) src(%dma_wait3A_282 : memref<100000x64xf32, #tpu.memory_space<hbm>>) dst(%arg19 : memref<128x64xf32, #tpu.memory_space<vmem>>)
                tpu.yield
              }) : () -> ()
              "tpu.region"() ({
                %run_scoped3A = tpu.sem_alloc : memref<!tpu.dma_semaphore, #tpu.memory_space<semaphore_mem>>
                %dma_start3A_277 = arith.constant 0 : i32
                %dma_start3A_278 = arith.constant 0 : i32
                %dma_start3A_279 = tpu.memref_slice %arg27[%dma_start3A_277, %dma_start3A_278] : memref<1032x64xf32, #tpu.memory_space<vmem_shared>> -> memref<1032x64xf32, #tpu.memory_space<vmem_shared>>
                tpu.enqueue_indirect_dma source(%arg19 : memref<128x64xf32, #tpu.memory_space<vmem>>) target(%dma_start3A_279 : memref<1032x64xf32, #tpu.memory_space<vmem_shared>>) offsets(%arg18 : memref<128xi32, #tpu.memory_space<vmem>>) semaphore(%run_scoped3A : memref<!tpu.dma_semaphore, #tpu.memory_space<semaphore_mem>>) {add = true}
                %dma_wait3A_280 = arith.constant 0 : i32
                %dma_wait3A_281 = arith.constant 0 : i32
                %dma_wait3A_282 = tpu.memref_slice %arg27[%dma_wait3A_280, %dma_wait3A_281] : memref<1032x64xf32, #tpu.memory_space<vmem_shared>> -> memref<1032x64xf32, #tpu.memory_space<vmem_shared>>
                tpu.wait_indirect_dma semaphore(%run_scoped3A : memref<!tpu.dma_semaphore, #tpu.memory_space<semaphore_mem>>) src(%arg19 : memref<128x64xf32, #tpu.memory_space<vmem>>) dst(%dma_wait3A_282 : memref<1032x64xf32, #tpu.memory_space<vmem_shared>>)
                tpu.yield
              }) : () -> ()
              "tpu.region"() ({
                %run_scoped3A = tpu.sem_alloc : memref<!tpu.dma_semaphore, #tpu.memory_space<semaphore_mem>>
                %dma_start3A_277 = arith.constant 0 : i32
                %dma_start3A_278 = arith.constant 0 : i32
                %dma_start3A_279 = tpu.memref_slice %arg28[%dma_start3A_277, %dma_start3A_278] : memref<1032x16xf32, #tpu.memory_space<vmem_shared>> -> memref<1032x16xf32, #tpu.memory_space<vmem_shared>>
                tpu.enqueue_indirect_dma source(%arg20 : memref<128x16xf32, #tpu.memory_space<vmem>>) target(%dma_start3A_279 : memref<1032x16xf32, #tpu.memory_space<vmem_shared>>) offsets(%arg18 : memref<128xi32, #tpu.memory_space<vmem>>) semaphore(%run_scoped3A : memref<!tpu.dma_semaphore, #tpu.memory_space<semaphore_mem>>) {add = true}
                %dma_wait3A_280 = arith.constant 0 : i32
                %dma_wait3A_281 = arith.constant 0 : i32
                %dma_wait3A_282 = tpu.memref_slice %arg28[%dma_wait3A_280, %dma_wait3A_281] : memref<1032x16xf32, #tpu.memory_space<vmem_shared>> -> memref<1032x16xf32, #tpu.memory_space<vmem_shared>>
                tpu.wait_indirect_dma semaphore(%run_scoped3A : memref<!tpu.dma_semaphore, #tpu.memory_space<semaphore_mem>>) src(%arg20 : memref<128x16xf32, #tpu.memory_space<vmem>>) dst(%dma_wait3A_282 : memref<1032x16xf32, #tpu.memory_space<vmem_shared>>)
                tpu.yield
              }) : () -> ()
              %swap3A_260 = arith.constant 0 : index
              %swap3A_261 = tpu.vector_load %arg18[%swap3A_260] {strides = array<i32>} : memref<128xi32, #tpu.memory_space<vmem>>, vector<16xi32>,
              tpu.vector_store %arg18[%swap3A_260], %broadcast_in_dim3A_5 {strides = array<i32>} : memref<128xi32, #tpu.memory_space<vmem>>, vector<16xi32>,
              %swap3A_262 = arith.constant 16 : index
              %swap3A_263 = tpu.vector_load %arg18[%swap3A_262] {strides = array<i32>} : memref<128xi32, #tpu.memory_space<vmem>>, vector<16xi32>,
              tpu.vector_store %arg18[%swap3A_262], %broadcast_in_dim3A_5 {strides = array<i32>} : memref<128xi32, #tpu.memory_space<vmem>>, vector<16xi32>,
              %swap3A_264 = arith.constant 32 : index
              %swap3A_265 = tpu.vector_load %arg18[%swap3A_264] {strides = array<i32>} : memref<128xi32, #tpu.memory_space<vmem>>, vector<16xi32>,
              tpu.vector_store %arg18[%swap3A_264], %broadcast_in_dim3A_5 {strides = array<i32>} : memref<128xi32, #tpu.memory_space<vmem>>, vector<16xi32>,
              %swap3A_266 = arith.constant 48 : index
              %swap3A_267 = tpu.vector_load %arg18[%swap3A_266] {strides = array<i32>} : memref<128xi32, #tpu.memory_space<vmem>>, vector<16xi32>,
              tpu.vector_store %arg18[%swap3A_266], %broadcast_in_dim3A_5 {strides = array<i32>} : memref<128xi32, #tpu.memory_space<vmem>>, vector<16xi32>,
              %swap3A_268 = arith.constant 64 : index
              %swap3A_269 = tpu.vector_load %arg18[%swap3A_268] {strides = array<i32>} : memref<128xi32, #tpu.memory_space<vmem>>, vector<16xi32>,
              tpu.vector_store %arg18[%swap3A_268], %broadcast_in_dim3A_5 {strides = array<i32>} : memref<128xi32, #tpu.memory_space<vmem>>, vector<16xi32>,
              %swap3A_270 = arith.constant 80 : index
              %swap3A_271 = tpu.vector_load %arg18[%swap3A_270] {strides = array<i32>} : memref<128xi32, #tpu.memory_space<vmem>>, vector<16xi32>,
              tpu.vector_store %arg18[%swap3A_270], %broadcast_in_dim3A_5 {strides = array<i32>} : memref<128xi32, #tpu.memory_space<vmem>>, vector<16xi32>,
              %swap3A_272 = arith.constant 96 : index
              %swap3A_273 = tpu.vector_load %arg18[%swap3A_272] {strides = array<i32>} : memref<128xi32, #tpu.memory_space<vmem>>, vector<16xi32>,
              tpu.vector_store %arg18[%swap3A_272], %broadcast_in_dim3A_5 {strides = array<i32>} : memref<128xi32, #tpu.memory_space<vmem>>, vector<16xi32>,
              %swap3A_274 = arith.constant 112 : index
              %swap3A_275 = tpu.vector_load %arg18[%swap3A_274] {strides = array<i32>} : memref<128xi32, #tpu.memory_space<vmem>>, vector<16xi32>,
              tpu.vector_store %arg18[%swap3A_274], %broadcast_in_dim3A_5 {strides = array<i32>} : memref<128xi32, #tpu.memory_space<vmem>>, vector<16xi32>,
              %cond3A_276 = arith.constant 0 : i32
              scf.yield %cond3A_276 : i32
            } else {
              scf.yield %scan3A_178 : i32
            }
            %mul3A_242 = arith.constant 32 : i32
            %mul3A_243 = arith.muli %scan3A_177, %mul3A_242 : i32
            %add3A_244 = arith.constant 0 : i32
            %add3A_245 = arith.addi %mul3A_243, %add3A_244 : i32
            %get3A_246 = arith.constant 0 : i32
            %get3A_247 = tpu.memref_slice %arg14[%scan3A_135, %get3A_246] : memref<2x10000xi32, #tpu.memory_space<vmem>> -> memref<1x10000xi32, #tpu.memory_space<vmem>>
            %get3A_248 = tpu.memref_squeeze %get3A_247 : memref<1x10000xi32, #tpu.memory_space<vmem>> -> memref<10000xi32, #tpu.memory_space<vmem>>
            %get3A_249 = arith.index_cast %add3A_245 : i32 to index
            %get3A_250 = tpu.vector_load %get3A_248[%get3A_249] {strides = array<i32>} : memref<10000xi32, #tpu.memory_space<vmem>>, vector<16xi32>,
            %swap3A_251 = arith.index_cast %cond3A_241 : i32 to index
            %swap3A_252 = tpu.vector_load %arg17[%swap3A_251] masked %ne3A_189 {strides = array<i32>} : memref<128xi32, #tpu.memory_space<vmem>>, vector<16xi32>, vector<16xi1>
            tpu.vector_store %arg17[%swap3A_251], %get3A_250 masked %ne3A_189 {strides = array<i32>} : memref<128xi32, #tpu.memory_space<vmem>>, vector<16xi32>, vector<16xi1>
            %swap3A_253 = arith.index_cast %cond3A_241 : i32 to index
            %swap3A_254 = tpu.vector_load %arg18[%swap3A_253] masked %ne3A_189 {strides = array<i32>} : memref<128xi32, #tpu.memory_space<vmem>>, vector<16xi32>, vector<16xi1>
            tpu.vector_store %arg18[%swap3A_253], %get3A_181 masked %ne3A_189 {strides = array<i32>} : memref<128xi32, #tpu.memory_space<vmem>>, vector<16xi32>, vector<16xi1>
            %convert_element_type3A_255 = arith.extui %ne3A_189 : vector<16xi1> to vector<16xi32>
            %reduce_sum3A = arith.constant true
            %reduce_sum3A_256 = vector.broadcast %reduce_sum3A : i1 to vector<16xi1>
            %reduce_sum3A_257 = tpu.scan <sum>, %convert_element_type3A_255 masked %reduce_sum3A_256 : vector<16xi32>, vector<16xi1> -> vector<16xi32>
            %reduce_sum3A_258 = vector.extract %reduce_sum3A_257[15] : i32 from vector<16xi32>
            %add3A_259 = arith.addi %cond3A_241, %reduce_sum3A_258 : i32
            scf.yield %add3A_259 : i32
          } else {
            scf.yield %scan3A_178 : i32
          }
          %reduce_or3A_222 = arith.constant 1.000000e+00 : f32
          %reduce_or3A_223 = arith.constant 0.000000e+00 : f32
          %reduce_or3A_224 = vector.broadcast %reduce_or3A_222 : f32 to vector<16xf32>
          %reduce_or3A_225 = vector.broadcast %reduce_or3A_223 : f32 to vector<16xf32>
          %reduce_or3A_226 = arith.select %ne3A_192, %reduce_or3A_224, %reduce_or3A_225 : vector<16xi1>, vector<16xf32>
          %reduce_or3A_227 = arith.constant true
          %reduce_or3A_228 = vector.broadcast %reduce_or3A_227 : i1 to vector<16xi1>
          %reduce_or3A_229 = tpu.scan <max>, %reduce_or3A_226 masked %reduce_or3A_228 : vector<16xf32>, vector<16xi1> -> vector<16xf32>
          %reduce_or3A_230 = vector.extract %reduce_or3A_229[15] : f32 from vector<16xf32>
          %reduce_or3A_231 = arith.constant 0.000000e+00 : f32
          %reduce_or3A_232 = arith.cmpf ogt, %reduce_or3A_230, %reduce_or3A_231 : f32
          %convert_element_type3A_233 = arith.extui %reduce_or3A_232 : i1 to i32
          %cond3A_234 = arith.constant 0 : i32
          %cond3A_235 = arith.cmpi ne, %convert_element_type3A_233, %cond3A_234 : i32
          %cond3A_236 = scf.if %cond3A_235 -> (i32) {
            %gt3A = arith.constant 112 : i32
            %gt3A_237 = arith.cmpi sgt, %cond3A_221, %gt3A : i32
            %convert_element_type3A_238 = arith.extui %gt3A_237 : i1 to i32
            %cond3A_239 = arith.constant 0 : i32
            %cond3A_240 = arith.cmpi ne, %convert_element_type3A_238, %cond3A_239 : i32
            %cond3A_241 = scf.if %cond3A_240 -> (i32) {
              "tpu.region"() ({
                %run_scoped3A = tpu.sem_alloc : memref<!tpu.dma_semaphore, #tpu.memory_space<semaphore_mem>>
                %dma_start3A_277 = arith.constant 0 : i32
                %dma_start3A_278 = arith.constant 0 : i32
                %dma_start3A_279 = tpu.memref_slice %arg5[%dma_start3A_277, %dma_start3A_278] : memref<100000x64xf32, #tpu.memory_space<hbm>> -> memref<100000x64xf32, #tpu.memory_space<hbm>>
                tpu.enqueue_indirect_dma source(%dma_start3A_279 : memref<100000x64xf32, #tpu.memory_space<hbm>>) target(%arg19 : memref<128x64xf32, #tpu.memory_space<vmem>>) offsets(%arg17 : memref<128xi32, #tpu.memory_space<vmem>>) semaphore(%run_scoped3A : memref<!tpu.dma_semaphore, #tpu.memory_space<semaphore_mem>>)
                %dma_wait3A_280 = arith.constant 0 : i32
                %dma_wait3A_281 = arith.constant 0 : i32
                %dma_wait3A_282 = tpu.memref_slice %arg5[%dma_wait3A_280, %dma_wait3A_281] : memref<100000x64xf32, #tpu.memory_space<hbm>> -> memref<100000x64xf32, #tpu.memory_space<hbm>>
                tpu.wait_indirect_dma semaphore(%run_scoped3A : memref<!tpu.dma_semaphore, #tpu.memory_space<semaphore_mem>>) src(%dma_wait3A_282 : memref<100000x64xf32, #tpu.memory_space<hbm>>) dst(%arg19 : memref<128x64xf32, #tpu.memory_space<vmem>>)
                tpu.yield
              }) : () -> ()
              "tpu.region"() ({
                %run_scoped3A = tpu.sem_alloc : memref<!tpu.dma_semaphore, #tpu.memory_space<semaphore_mem>>
                %dma_start3A_277 = arith.constant 0 : i32
                %dma_start3A_278 = arith.constant 0 : i32
                %dma_start3A_279 = tpu.memref_slice %arg27[%dma_start3A_277, %dma_start3A_278] : memref<1032x64xf32, #tpu.memory_space<vmem_shared>> -> memref<1032x64xf32, #tpu.memory_space<vmem_shared>>
                tpu.enqueue_indirect_dma source(%arg19 : memref<128x64xf32, #tpu.memory_space<vmem>>) target(%dma_start3A_279 : memref<1032x64xf32, #tpu.memory_space<vmem_shared>>) offsets(%arg18 : memref<128xi32, #tpu.memory_space<vmem>>) semaphore(%run_scoped3A : memref<!tpu.dma_semaphore, #tpu.memory_space<semaphore_mem>>) {add = true}
                %dma_wait3A_280 = arith.constant 0 : i32
                %dma_wait3A_281 = arith.constant 0 : i32
                %dma_wait3A_282 = tpu.memref_slice %arg27[%dma_wait3A_280, %dma_wait3A_281] : memref<1032x64xf32, #tpu.memory_space<vmem_shared>> -> memref<1032x64xf32, #tpu.memory_space<vmem_shared>>
                tpu.wait_indirect_dma semaphore(%run_scoped3A : memref<!tpu.dma_semaphore, #tpu.memory_space<semaphore_mem>>) src(%arg19 : memref<128x64xf32, #tpu.memory_space<vmem>>) dst(%dma_wait3A_282 : memref<1032x64xf32, #tpu.memory_space<vmem_shared>>)
                tpu.yield
              }) : () -> ()
              "tpu.region"() ({
                %run_scoped3A = tpu.sem_alloc : memref<!tpu.dma_semaphore, #tpu.memory_space<semaphore_mem>>
                %dma_start3A_277 = arith.constant 0 : i32
                %dma_start3A_278 = arith.constant 0 : i32
                %dma_start3A_279 = tpu.memref_slice %arg28[%dma_start3A_277, %dma_start3A_278] : memref<1032x16xf32, #tpu.memory_space<vmem_shared>> -> memref<1032x16xf32, #tpu.memory_space<vmem_shared>>
                tpu.enqueue_indirect_dma source(%arg20 : memref<128x16xf32, #tpu.memory_space<vmem>>) target(%dma_start3A_279 : memref<1032x16xf32, #tpu.memory_space<vmem_shared>>) offsets(%arg18 : memref<128xi32, #tpu.memory_space<vmem>>) semaphore(%run_scoped3A : memref<!tpu.dma_semaphore, #tpu.memory_space<semaphore_mem>>) {add = true}
                %dma_wait3A_280 = arith.constant 0 : i32
                %dma_wait3A_281 = arith.constant 0 : i32
                %dma_wait3A_282 = tpu.memref_slice %arg28[%dma_wait3A_280, %dma_wait3A_281] : memref<1032x16xf32, #tpu.memory_space<vmem_shared>> -> memref<1032x16xf32, #tpu.memory_space<vmem_shared>>
                tpu.wait_indirect_dma semaphore(%run_scoped3A : memref<!tpu.dma_semaphore, #tpu.memory_space<semaphore_mem>>) src(%arg20 : memref<128x16xf32, #tpu.memory_space<vmem>>) dst(%dma_wait3A_282 : memref<1032x16xf32, #tpu.memory_space<vmem_shared>>)
                tpu.yield
              }) : () -> ()
              %swap3A_260 = arith.constant 0 : index
              %swap3A_261 = tpu.vector_load %arg18[%swap3A_260] {strides = array<i32>} : memref<128xi32, #tpu.memory_space<vmem>>, vector<16xi32>,
              tpu.vector_store %arg18[%swap3A_260], %broadcast_in_dim3A_5 {strides = array<i32>} : memref<128xi32, #tpu.memory_space<vmem>>, vector<16xi32>,
              %swap3A_262 = arith.constant 16 : index
              %swap3A_263 = tpu.vector_load %arg18[%swap3A_262] {strides = array<i32>} : memref<128xi32, #tpu.memory_space<vmem>>, vector<16xi32>,
              tpu.vector_store %arg18[%swap3A_262], %broadcast_in_dim3A_5 {strides = array<i32>} : memref<128xi32, #tpu.memory_space<vmem>>, vector<16xi32>,
              %swap3A_264 = arith.constant 32 : index
              %swap3A_265 = tpu.vector_load %arg18[%swap3A_264] {strides = array<i32>} : memref<128xi32, #tpu.memory_space<vmem>>, vector<16xi32>,
              tpu.vector_store %arg18[%swap3A_264], %broadcast_in_dim3A_5 {strides = array<i32>} : memref<128xi32, #tpu.memory_space<vmem>>, vector<16xi32>,
              %swap3A_266 = arith.constant 48 : index
              %swap3A_267 = tpu.vector_load %arg18[%swap3A_266] {strides = array<i32>} : memref<128xi32, #tpu.memory_space<vmem>>, vector<16xi32>,
              tpu.vector_store %arg18[%swap3A_266], %broadcast_in_dim3A_5 {strides = array<i32>} : memref<128xi32, #tpu.memory_space<vmem>>, vector<16xi32>,
              %swap3A_268 = arith.constant 64 : index
              %swap3A_269 = tpu.vector_load %arg18[%swap3A_268] {strides = array<i32>} : memref<128xi32, #tpu.memory_space<vmem>>, vector<16xi32>,
              tpu.vector_store %arg18[%swap3A_268], %broadcast_in_dim3A_5 {strides = array<i32>} : memref<128xi32, #tpu.memory_space<vmem>>, vector<16xi32>,
              %swap3A_270 = arith.constant 80 : index
              %swap3A_271 = tpu.vector_load %arg18[%swap3A_270] {strides = array<i32>} : memref<128xi32, #tpu.memory_space<vmem>>, vector<16xi32>,
              tpu.vector_store %arg18[%swap3A_270], %broadcast_in_dim3A_5 {strides = array<i32>} : memref<128xi32, #tpu.memory_space<vmem>>, vector<16xi32>,
              %swap3A_272 = arith.constant 96 : index
              %swap3A_273 = tpu.vector_load %arg18[%swap3A_272] {strides = array<i32>} : memref<128xi32, #tpu.memory_space<vmem>>, vector<16xi32>,
              tpu.vector_store %arg18[%swap3A_272], %broadcast_in_dim3A_5 {strides = array<i32>} : memref<128xi32, #tpu.memory_space<vmem>>, vector<16xi32>,
              %swap3A_274 = arith.constant 112 : index
              %swap3A_275 = tpu.vector_load %arg18[%swap3A_274] {strides = array<i32>} : memref<128xi32, #tpu.memory_space<vmem>>, vector<16xi32>,
              tpu.vector_store %arg18[%swap3A_274], %broadcast_in_dim3A_5 {strides = array<i32>} : memref<128xi32, #tpu.memory_space<vmem>>, vector<16xi32>,
              %cond3A_276 = arith.constant 0 : i32
              scf.yield %cond3A_276 : i32
            } else {
              scf.yield %cond3A_221 : i32
            }
            %mul3A_242 = arith.constant 32 : i32
            %mul3A_243 = arith.muli %scan3A_177, %mul3A_242 : i32
            %add3A_244 = arith.constant 16 : i32
            %add3A_245 = arith.addi %mul3A_243, %add3A_244 : i32
            %get3A_246 = arith.constant 0 : i32
            %get3A_247 = tpu.memref_slice %arg14[%scan3A_135, %get3A_246] : memref<2x10000xi32, #tpu.memory_space<vmem>> -> memref<1x10000xi32, #tpu.memory_space<vmem>>
            %get3A_248 = tpu.memref_squeeze %get3A_247 : memref<1x10000xi32, #tpu.memory_space<vmem>> -> memref<10000xi32, #tpu.memory_space<vmem>>
            %get3A_249 = arith.index_cast %add3A_245 : i32 to index
            %get3A_250 = tpu.vector_load %get3A_248[%get3A_249] {strides = array<i32>} : memref<10000xi32, #tpu.memory_space<vmem>>, vector<16xi32>,
            %swap3A_251 = arith.index_cast %cond3A_241 : i32 to index
            %swap3A_252 = tpu.vector_load %arg17[%swap3A_251] masked %ne3A_192 {strides = array<i32>} : memref<128xi32, #tpu.memory_space<vmem>>, vector<16xi32>, vector<16xi1>
            tpu.vector_store %arg17[%swap3A_251], %get3A_250 masked %ne3A_192 {strides = array<i32>} : memref<128xi32, #tpu.memory_space<vmem>>, vector<16xi32>, vector<16xi1>
            %swap3A_253 = arith.index_cast %cond3A_241 : i32 to index
            %swap3A_254 = tpu.vector_load %arg18[%swap3A_253] masked %ne3A_192 {strides = array<i32>} : memref<128xi32, #tpu.memory_space<vmem>>, vector<16xi32>, vector<16xi1>
            tpu.vector_store %arg18[%swap3A_253], %get3A_187 masked %ne3A_192 {strides = array<i32>} : memref<128xi32, #tpu.memory_space<vmem>>, vector<16xi32>, vector<16xi1>
            %convert_element_type3A_255 = arith.extui %ne3A_192 : vector<16xi1> to vector<16xi32>
            %reduce_sum3A = arith.constant true
            %reduce_sum3A_256 = vector.broadcast %reduce_sum3A : i1 to vector<16xi1>
            %reduce_sum3A_257 = tpu.scan <sum>, %convert_element_type3A_255 masked %reduce_sum3A_256 : vector<16xi32>, vector<16xi1> -> vector<16xi32>
            %reduce_sum3A_258 = vector.extract %reduce_sum3A_257[15] : i32 from vector<16xi32>
            %add3A_259 = arith.addi %cond3A_241, %reduce_sum3A_258 : i32
            scf.yield %add3A_259 : i32
          } else {
            scf.yield %cond3A_221 : i32
          }
          scf.yield %cond3A_236 : i32
        } else {
          scf.yield %scan3A_178 : i32
        }
        scf.yield %cond3A_206 : i32
      }
      %scan3A_141 = arith.constant 312 : i32
      %dma_wait3A_142 = arith.constant 1 : i32
      %dma_wait3A_143 = arith.constant 0 : i32
      %dma_wait3A_144 = tpu.memref_slice %arg14[%dma_wait3A_142, %dma_wait3A_143] : memref<2x10000xi32, #tpu.memory_space<vmem>> -> memref<1x10000xi32, #tpu.memory_space<vmem>>
      %dma_wait3A_145 = tpu.memref_squeeze %dma_wait3A_144 : memref<1x10000xi32, #tpu.memory_space<vmem>> -> memref<10000xi32, #tpu.memory_space<vmem>>
      %dma_wait3A_146 = tpu.memref_slice %arg2[%mul3A_38] : memref<3200000xi32, #tpu.memory_space<hbm>> -> memref<10000xi32, #tpu.memory_space<hbm>>
      %dma_wait3A_147 = arith.constant 0 : i32
      %dma_wait3A_148 = tpu.memref_slice %arg14[%dma_wait3A_142, %dma_wait3A_147] : memref<2x10000xi32, #tpu.memory_space<vmem>> -> memref<1x10000xi32, #tpu.memory_space<vmem>>
      %dma_wait3A_149 = tpu.memref_squeeze %dma_wait3A_148 : memref<1x10000xi32, #tpu.memory_space<vmem>> -> memref<10000xi32, #tpu.memory_space<vmem>>
      %dma_wait3A_150 = tpu.memref_slice %arg2[%mul3A_38] : memref<3200000xi32, #tpu.memory_space<hbm>> -> memref<10000xi32, #tpu.memory_space<hbm>>
      tpu.wait_dma2 semaphore(%arg25 : memref<!tpu.dma_semaphore, #tpu.memory_space<semaphore_mem>>) src(%dma_wait3A_150 : memref<10000xi32, #tpu.memory_space<hbm>>) dst(%dma_wait3A_149 : memref<10000xi32, #tpu.memory_space<vmem>>)
      %dma_wait3A_151 = arith.constant 1 : i32
      %dma_wait3A_152 = arith.constant 0 : i32
      %dma_wait3A_153 = tpu.memref_slice %arg15[%dma_wait3A_151, %dma_wait3A_152] : memref<2x10000xi32, #tpu.memory_space<vmem>> -> memref<1x10000xi32, #tpu.memory_space<vmem>>
      %dma_wait3A_154 = tpu.memref_squeeze %dma_wait3A_153 : memref<1x10000xi32, #tpu.memory_space<vmem>> -> memref<10000xi32, #tpu.memory_space<vmem>>
      %dma_wait3A_155 = tpu.memref_slice %arg3[%mul3A_38] : memref<3200000xi32, #tpu.memory_space<hbm>> -> memref<10000xi32, #tpu.memory_space<hbm>>
      %dma_wait3A_156 = arith.constant 0 : i32
      %dma_wait3A_157 = tpu.memref_slice %arg15[%dma_wait3A_151, %dma_wait3A_156] : memref<2x10000xi32, #tpu.memory_space<vmem>> -> memref<1x10000xi32, #tpu.memory_space<vmem>>
      %dma_wait3A_158 = tpu.memref_squeeze %dma_wait3A_157 : memref<1x10000xi32, #tpu.memory_space<vmem>> -> memref<10000xi32, #tpu.memory_space<vmem>>
      %dma_wait3A_159 = tpu.memref_slice %arg3[%mul3A_38] : memref<3200000xi32, #tpu.memory_space<hbm>> -> memref<10000xi32, #tpu.memory_space<hbm>>
      tpu.wait_dma2 semaphore(%arg26 : memref<!tpu.dma_semaphore, #tpu.memory_space<semaphore_mem>>) src(%dma_wait3A_159 : memref<10000xi32, #tpu.memory_space<hbm>>) dst(%dma_wait3A_158 : memref<10000xi32, #tpu.memory_space<vmem>>)
      %add3A_160 = arith.constant 2 : i32
      %add3A_161 = arith.addi %mul3A_91, %add3A_160 : i32
      %lt3A = arith.constant 10 : i32
      %lt3A_162 = arith.cmpi slt, %add3A_161, %lt3A : i32
      %convert_element_type3A_163 = arith.extui %lt3A_162 : i1 to i32
      %cond3A_164 = arith.constant 0 : i32
      %cond3A_165 = arith.cmpi ne, %convert_element_type3A_163, %cond3A_164 : i32
      scf.if %cond3A_165 {
        %add3A_177 = arith.constant 2 : i32
        %add3A_178 = arith.addi %mul3A_91, %add3A_177 : i32
        %mul3A_179 = arith.constant 10000 : i32
        %mul3A_180 = arith.muli %add3A_178, %mul3A_179 : i32
        %add3A_181 = arith.addi %mul3A_38, %mul3A_180 : i32
        %dma_start3A_182 = arith.constant 0 : i32
        %dma_start3A_183 = arith.constant 0 : i32
        %dma_start3A_184 = tpu.memref_slice %arg14[%dma_start3A_182, %dma_start3A_183] : memref<2x10000xi32, #tpu.memory_space<vmem>> -> memref<1x10000xi32, #tpu.memory_space<vmem>>
        %dma_start3A_185 = tpu.memref_squeeze %dma_start3A_184 : memref<1x10000xi32, #tpu.memory_space<vmem>> -> memref<10000xi32, #tpu.memory_space<vmem>>
        %dma_start3A_186 = tpu.memref_slice %arg2[%add3A_181] : memref<3200000xi32, #tpu.memory_space<hbm>> -> memref<10000xi32, #tpu.memory_space<hbm>>
        %dma_start3A_187 = arith.constant 0 : i32
        %dma_start3A_188 = tpu.memref_slice %arg14[%dma_start3A_182, %dma_start3A_187] : memref<2x10000xi32, #tpu.memory_space<vmem>> -> memref<1x10000xi32, #tpu.memory_space<vmem>>
        %dma_start3A_189 = tpu.memref_squeeze %dma_start3A_188 : memref<1x10000xi32, #tpu.memory_space<vmem>> -> memref<10000xi32, #tpu.memory_space<vmem>>
        %dma_start3A_190 = tpu.memref_slice %arg2[%add3A_181] : memref<3200000xi32, #tpu.memory_space<hbm>> -> memref<10000xi32, #tpu.memory_space<hbm>>
        tpu.enqueue_dma source(%dma_start3A_190 : memref<10000xi32, #tpu.memory_space<hbm>>) target(%dma_start3A_189 : memref<10000xi32, #tpu.memory_space<vmem>>) target_semaphore(%arg23 : memref<!tpu.dma_semaphore, #tpu.memory_space<semaphore_mem>>)
        %dma_start3A_191 = arith.constant 0 : i32
        %dma_start3A_192 = arith.constant 0 : i32
        %dma_start3A_193 = tpu.memref_slice %arg15[%dma_start3A_191, %dma_start3A_192] : memref<2x10000xi32, #tpu.memory_space<vmem>> -> memref<1x10000xi32, #tpu.memory_space<vmem>>
        %dma_start3A_194 = tpu.memref_squeeze %dma_start3A_193 : memref<1x10000xi32, #tpu.memory_space<vmem>> -> memref<10000xi32, #tpu.memory_space<vmem>>
        %dma_start3A_195 = tpu.memref_slice %arg3[%add3A_181] : memref<3200000xi32, #tpu.memory_space<hbm>> -> memref<10000xi32, #tpu.memory_space<hbm>>
        %dma_start3A_196 = arith.constant 0 : i32
        %dma_start3A_197 = tpu.memref_slice %arg15[%dma_start3A_191, %dma_start3A_196] : memref<2x10000xi32, #tpu.memory_space<vmem>> -> memref<1x10000xi32, #tpu.memory_space<vmem>>
        %dma_start3A_198 = tpu.memref_squeeze %dma_start3A_197 : memref<1x10000xi32, #tpu.memory_space<vmem>> -> memref<10000xi32, #tpu.memory_space<vmem>>
        %dma_start3A_199 = tpu.memref_slice %arg3[%add3A_181] : memref<3200000xi32, #tpu.memory_space<hbm>> -> memref<10000xi32, #tpu.memory_space<hbm>>
        tpu.enqueue_dma source(%dma_start3A_199 : memref<10000xi32, #tpu.memory_space<hbm>>) target(%dma_start3A_198 : memref<10000xi32, #tpu.memory_space<vmem>>) target_semaphore(%arg24 : memref<!tpu.dma_semaphore, #tpu.memory_space<semaphore_mem>>)
      } else {
      }
      %parallel_loop3A_166 = arith.constant 0 : i32
      %parallel_loop3A_167 = arith.constant 625 : i32
      %parallel_loop3A_168 = arith.constant 1 : i32
      %parallel_loop3A_169 = arith.constant 1 : i32
      scf.for %parallel_loop3A_177 = %parallel_loop3A_166 to %parallel_loop3A_167 step %parallel_loop3A_168  : i32 {
        %parallel_loop3A_178 = arith.constant 16 : i32
        %parallel_loop3A_179 = arith.muli %parallel_loop3A_177, %parallel_loop3A_178 : i32
        %parallel_loop3A_180 = arith.constant 0 : i32
        %parallel_loop3A_181 = tpu.memref_slice %arg15[%parallel_loop3A_169, %parallel_loop3A_180] : memref<2x10000xi32, #tpu.memory_space<vmem>> -> memref<1x10000xi32, #tpu.memory_space<vmem>>
        %parallel_loop3A_182 = tpu.memref_squeeze %parallel_loop3A_181 : memref<1x10000xi32, #tpu.memory_space<vmem>> -> memref<10000xi32, #tpu.memory_space<vmem>>
        %parallel_loop3A_183 = arith.index_cast %parallel_loop3A_179 : i32 to index
        %parallel_loop3A_184 = tpu.vector_load %parallel_loop3A_182[%parallel_loop3A_183] {strides = array<i32>} : memref<10000xi32, #tpu.memory_space<vmem>>, vector<16xi32>,
        %parallel_loop3A_185 = arith.constant 1 : i32
        %parallel_loop3A_186 = vector.broadcast %parallel_loop3A_185 : i32 to vector<16xi32>
        %parallel_loop3A_187 = arith.shrui %parallel_loop3A_184, %parallel_loop3A_186 : vector<16xi32>
        %parallel_loop3A_188 = tpu.vector_load_idx %arg13[%parallel_loop3A_187] : memref<50000xi32, #tpu.memory_space<vmem>>[vector<16xi32>], vector<16xi32>,
        %parallel_loop3A_189 = arith.constant 1 : i32
        %parallel_loop3A_190 = vector.broadcast %parallel_loop3A_189 : i32 to vector<16xi32>
        %parallel_loop3A_191 = arith.andi %parallel_loop3A_184, %parallel_loop3A_190 : vector<16xi32>
        %parallel_loop3A_192 = arith.constant 16 : i32
        %parallel_loop3A_193 = vector.broadcast %parallel_loop3A_192 : i32 to vector<16xi32>
        %parallel_loop3A_194 = arith.muli %parallel_loop3A_191, %parallel_loop3A_193 : vector<16xi32>
        %parallel_loop3A_195 = arith.shrui %parallel_loop3A_188, %parallel_loop3A_194 : vector<16xi32>
        %parallel_loop3A_196 = arith.constant 65535 : i32
        %parallel_loop3A_197 = vector.broadcast %parallel_loop3A_196 : i32 to vector<16xi32>
        %parallel_loop3A_198 = arith.andi %parallel_loop3A_195, %parallel_loop3A_197 : vector<16xi32>
        %parallel_loop3A_199 = arith.constant 16 : i32
        %parallel_loop3A_200 = arith.muli %parallel_loop3A_177, %parallel_loop3A_199 : i32
        %parallel_loop3A_201 = arith.index_cast %parallel_loop3A_200 : i32 to index
        %parallel_loop3A_202 = tpu.vector_load %arg16[%parallel_loop3A_201] {strides = array<i32>} : memref<10000xi32, #tpu.memory_space<vmem>>, vector<16xi32>,
        tpu.vector_store %arg16[%parallel_loop3A_201], %parallel_loop3A_198 {strides = array<i32>} : memref<10000xi32, #tpu.memory_space<vmem>>, vector<16xi32>,
      } {sc.loop_unroll_factor = 8 : i64, sc.parallel_access}
      %scan3A_170 = arith.constant 1 : i32
      %scan3A_171 = arith.constant 0 : i32
      %scan3A_172 = arith.constant 312 : i32
      %scan3A_173 = arith.addi %scan3A_171, %scan3A_172 : i32
      %scan3A_174 = arith.constant 1 : i32
      %scan3A_175 = scf.for %scan3A_177 = %scan3A_171 to %scan3A_173 step %scan3A_174 iter_args(%scan3A_178 = %scan3A_140) -> (i32)  : i32 {
        %mul3A_179 = arith.constant 32 : i32
        %mul3A_180 = arith.muli %scan3A_177, %mul3A_179 : i32
        %get3A = arith.index_cast %mul3A_180 : i32 to index
        %get3A_181 = tpu.vector_load %arg16[%get3A] {strides = array<i32>} : memref<10000xi32, #tpu.memory_space<vmem>>, vector<16xi32>,
        %mul3A_182 = arith.constant 32 : i32
        %mul3A_183 = arith.muli %scan3A_177, %mul3A_182 : i32
        %add3A_184 = arith.constant 16 : i32
        %add3A_185 = arith.addi %mul3A_183, %add3A_184 : i32
        %get3A_186 = arith.index_cast %add3A_185 : i32 to index
        %get3A_187 = tpu.vector_load %arg16[%get3A_186] {strides = array<i32>} : memref<10000xi32, #tpu.memory_space<vmem>>, vector<16xi32>,
        %ne3A = arith.constant 65535 : i32
        %ne3A_188 = vector.broadcast %ne3A : i32 to vector<16xi32>
        %ne3A_189 = arith.cmpi ne, %get3A_181, %ne3A_188 : vector<16xi32>
        %ne3A_190 = arith.constant 65535 : i32
        %ne3A_191 = vector.broadcast %ne3A_190 : i32 to vector<16xi32>
        %ne3A_192 = arith.cmpi ne, %get3A_187, %ne3A_191 : vector<16xi32>
        %or3A = arith.ori %ne3A_189, %ne3A_192 : vector<16xi1>
        %reduce_or3A = arith.constant 1.000000e+00 : f32
        %reduce_or3A_193 = arith.constant 0.000000e+00 : f32
        %reduce_or3A_194 = vector.broadcast %reduce_or3A : f32 to vector<16xf32>
        %reduce_or3A_195 = vector.broadcast %reduce_or3A_193 : f32 to vector<16xf32>
        %reduce_or3A_196 = arith.select %or3A, %reduce_or3A_194, %reduce_or3A_195 : vector<16xi1>, vector<16xf32>
        %reduce_or3A_197 = arith.constant true
        %reduce_or3A_198 = vector.broadcast %reduce_or3A_197 : i1 to vector<16xi1>
        %reduce_or3A_199 = tpu.scan <max>, %reduce_or3A_196 masked %reduce_or3A_198 : vector<16xf32>, vector<16xi1> -> vector<16xf32>
        %reduce_or3A_200 = vector.extract %reduce_or3A_199[15] : f32 from vector<16xf32>
        %reduce_or3A_201 = arith.constant 0.000000e+00 : f32
        %reduce_or3A_202 = arith.cmpf ogt, %reduce_or3A_200, %reduce_or3A_201 : f32
        %convert_element_type3A_203 = arith.extui %reduce_or3A_202 : i1 to i32
        %cond3A_204 = arith.constant 0 : i32
        %cond3A_205 = arith.cmpi ne, %convert_element_type3A_203, %cond3A_204 : i32
        %cond3A_206 = scf.if %cond3A_205 -> (i32) {
          %reduce_or3A_207 = arith.constant 1.000000e+00 : f32
          %reduce_or3A_208 = arith.constant 0.000000e+00 : f32
          %reduce_or3A_209 = vector.broadcast %reduce_or3A_207 : f32 to vector<16xf32>
          %reduce_or3A_210 = vector.broadcast %reduce_or3A_208 : f32 to vector<16xf32>
          %reduce_or3A_211 = arith.select %ne3A_189, %reduce_or3A_209, %reduce_or3A_210 : vector<16xi1>, vector<16xf32>
          %reduce_or3A_212 = arith.constant true
          %reduce_or3A_213 = vector.broadcast %reduce_or3A_212 : i1 to vector<16xi1>
          %reduce_or3A_214 = tpu.scan <max>, %reduce_or3A_211 masked %reduce_or3A_213 : vector<16xf32>, vector<16xi1> -> vector<16xf32>
          %reduce_or3A_215 = vector.extract %reduce_or3A_214[15] : f32 from vector<16xf32>
          %reduce_or3A_216 = arith.constant 0.000000e+00 : f32
          %reduce_or3A_217 = arith.cmpf ogt, %reduce_or3A_215, %reduce_or3A_216 : f32
          %convert_element_type3A_218 = arith.extui %reduce_or3A_217 : i1 to i32
          %cond3A_219 = arith.constant 0 : i32
          %cond3A_220 = arith.cmpi ne, %convert_element_type3A_218, %cond3A_219 : i32
          %cond3A_221 = scf.if %cond3A_220 -> (i32) {
            %gt3A = arith.constant 112 : i32
            %gt3A_237 = arith.cmpi sgt, %scan3A_178, %gt3A : i32
            %convert_element_type3A_238 = arith.extui %gt3A_237 : i1 to i32
            %cond3A_239 = arith.constant 0 : i32
            %cond3A_240 = arith.cmpi ne, %convert_element_type3A_238, %cond3A_239 : i32
            %cond3A_241 = scf.if %cond3A_240 -> (i32) {
              "tpu.region"() ({
                %run_scoped3A = tpu.sem_alloc : memref<!tpu.dma_semaphore, #tpu.memory_space<semaphore_mem>>
                %dma_start3A_277 = arith.constant 0 : i32
                %dma_start3A_278 = arith.constant 0 : i32
                %dma_start3A_279 = tpu.memref_slice %arg5[%dma_start3A_277, %dma_start3A_278] : memref<100000x64xf32, #tpu.memory_space<hbm>> -> memref<100000x64xf32, #tpu.memory_space<hbm>>
                tpu.enqueue_indirect_dma source(%dma_start3A_279 : memref<100000x64xf32, #tpu.memory_space<hbm>>) target(%arg19 : memref<128x64xf32, #tpu.memory_space<vmem>>) offsets(%arg17 : memref<128xi32, #tpu.memory_space<vmem>>) semaphore(%run_scoped3A : memref<!tpu.dma_semaphore, #tpu.memory_space<semaphore_mem>>)
                %dma_wait3A_280 = arith.constant 0 : i32
                %dma_wait3A_281 = arith.constant 0 : i32
                %dma_wait3A_282 = tpu.memref_slice %arg5[%dma_wait3A_280, %dma_wait3A_281] : memref<100000x64xf32, #tpu.memory_space<hbm>> -> memref<100000x64xf32, #tpu.memory_space<hbm>>
                tpu.wait_indirect_dma semaphore(%run_scoped3A : memref<!tpu.dma_semaphore, #tpu.memory_space<semaphore_mem>>) src(%dma_wait3A_282 : memref<100000x64xf32, #tpu.memory_space<hbm>>) dst(%arg19 : memref<128x64xf32, #tpu.memory_space<vmem>>)
                tpu.yield
              }) : () -> ()
              "tpu.region"() ({
                %run_scoped3A = tpu.sem_alloc : memref<!tpu.dma_semaphore, #tpu.memory_space<semaphore_mem>>
                %dma_start3A_277 = arith.constant 0 : i32
                %dma_start3A_278 = arith.constant 0 : i32
                %dma_start3A_279 = tpu.memref_slice %arg27[%dma_start3A_277, %dma_start3A_278] : memref<1032x64xf32, #tpu.memory_space<vmem_shared>> -> memref<1032x64xf32, #tpu.memory_space<vmem_shared>>
                tpu.enqueue_indirect_dma source(%arg19 : memref<128x64xf32, #tpu.memory_space<vmem>>) target(%dma_start3A_279 : memref<1032x64xf32, #tpu.memory_space<vmem_shared>>) offsets(%arg18 : memref<128xi32, #tpu.memory_space<vmem>>) semaphore(%run_scoped3A : memref<!tpu.dma_semaphore, #tpu.memory_space<semaphore_mem>>) {add = true}
                %dma_wait3A_280 = arith.constant 0 : i32
                %dma_wait3A_281 = arith.constant 0 : i32
                %dma_wait3A_282 = tpu.memref_slice %arg27[%dma_wait3A_280, %dma_wait3A_281] : memref<1032x64xf32, #tpu.memory_space<vmem_shared>> -> memref<1032x64xf32, #tpu.memory_space<vmem_shared>>
                tpu.wait_indirect_dma semaphore(%run_scoped3A : memref<!tpu.dma_semaphore, #tpu.memory_space<semaphore_mem>>) src(%arg19 : memref<128x64xf32, #tpu.memory_space<vmem>>) dst(%dma_wait3A_282 : memref<1032x64xf32, #tpu.memory_space<vmem_shared>>)
                tpu.yield
              }) : () -> ()
              "tpu.region"() ({
                %run_scoped3A = tpu.sem_alloc : memref<!tpu.dma_semaphore, #tpu.memory_space<semaphore_mem>>
                %dma_start3A_277 = arith.constant 0 : i32
                %dma_start3A_278 = arith.constant 0 : i32
                %dma_start3A_279 = tpu.memref_slice %arg28[%dma_start3A_277, %dma_start3A_278] : memref<1032x16xf32, #tpu.memory_space<vmem_shared>> -> memref<1032x16xf32, #tpu.memory_space<vmem_shared>>
                tpu.enqueue_indirect_dma source(%arg20 : memref<128x16xf32, #tpu.memory_space<vmem>>) target(%dma_start3A_279 : memref<1032x16xf32, #tpu.memory_space<vmem_shared>>) offsets(%arg18 : memref<128xi32, #tpu.memory_space<vmem>>) semaphore(%run_scoped3A : memref<!tpu.dma_semaphore, #tpu.memory_space<semaphore_mem>>) {add = true}
                %dma_wait3A_280 = arith.constant 0 : i32
                %dma_wait3A_281 = arith.constant 0 : i32
                %dma_wait3A_282 = tpu.memref_slice %arg28[%dma_wait3A_280, %dma_wait3A_281] : memref<1032x16xf32, #tpu.memory_space<vmem_shared>> -> memref<1032x16xf32, #tpu.memory_space<vmem_shared>>
                tpu.wait_indirect_dma semaphore(%run_scoped3A : memref<!tpu.dma_semaphore, #tpu.memory_space<semaphore_mem>>) src(%arg20 : memref<128x16xf32, #tpu.memory_space<vmem>>) dst(%dma_wait3A_282 : memref<1032x16xf32, #tpu.memory_space<vmem_shared>>)
                tpu.yield
              }) : () -> ()
              %swap3A_260 = arith.constant 0 : index
              %swap3A_261 = tpu.vector_load %arg18[%swap3A_260] {strides = array<i32>} : memref<128xi32, #tpu.memory_space<vmem>>, vector<16xi32>,
              tpu.vector_store %arg18[%swap3A_260], %broadcast_in_dim3A_5 {strides = array<i32>} : memref<128xi32, #tpu.memory_space<vmem>>, vector<16xi32>,
              %swap3A_262 = arith.constant 16 : index
              %swap3A_263 = tpu.vector_load %arg18[%swap3A_262] {strides = array<i32>} : memref<128xi32, #tpu.memory_space<vmem>>, vector<16xi32>,
              tpu.vector_store %arg18[%swap3A_262], %broadcast_in_dim3A_5 {strides = array<i32>} : memref<128xi32, #tpu.memory_space<vmem>>, vector<16xi32>,
              %swap3A_264 = arith.constant 32 : index
              %swap3A_265 = tpu.vector_load %arg18[%swap3A_264] {strides = array<i32>} : memref<128xi32, #tpu.memory_space<vmem>>, vector<16xi32>,
              tpu.vector_store %arg18[%swap3A_264], %broadcast_in_dim3A_5 {strides = array<i32>} : memref<128xi32, #tpu.memory_space<vmem>>, vector<16xi32>,
              %swap3A_266 = arith.constant 48 : index
              %swap3A_267 = tpu.vector_load %arg18[%swap3A_266] {strides = array<i32>} : memref<128xi32, #tpu.memory_space<vmem>>, vector<16xi32>,
              tpu.vector_store %arg18[%swap3A_266], %broadcast_in_dim3A_5 {strides = array<i32>} : memref<128xi32, #tpu.memory_space<vmem>>, vector<16xi32>,
              %swap3A_268 = arith.constant 64 : index
              %swap3A_269 = tpu.vector_load %arg18[%swap3A_268] {strides = array<i32>} : memref<128xi32, #tpu.memory_space<vmem>>, vector<16xi32>,
              tpu.vector_store %arg18[%swap3A_268], %broadcast_in_dim3A_5 {strides = array<i32>} : memref<128xi32, #tpu.memory_space<vmem>>, vector<16xi32>,
              %swap3A_270 = arith.constant 80 : index
              %swap3A_271 = tpu.vector_load %arg18[%swap3A_270] {strides = array<i32>} : memref<128xi32, #tpu.memory_space<vmem>>, vector<16xi32>,
              tpu.vector_store %arg18[%swap3A_270], %broadcast_in_dim3A_5 {strides = array<i32>} : memref<128xi32, #tpu.memory_space<vmem>>, vector<16xi32>,
              %swap3A_272 = arith.constant 96 : index
              %swap3A_273 = tpu.vector_load %arg18[%swap3A_272] {strides = array<i32>} : memref<128xi32, #tpu.memory_space<vmem>>, vector<16xi32>,
              tpu.vector_store %arg18[%swap3A_272], %broadcast_in_dim3A_5 {strides = array<i32>} : memref<128xi32, #tpu.memory_space<vmem>>, vector<16xi32>,
              %swap3A_274 = arith.constant 112 : index
              %swap3A_275 = tpu.vector_load %arg18[%swap3A_274] {strides = array<i32>} : memref<128xi32, #tpu.memory_space<vmem>>, vector<16xi32>,
              tpu.vector_store %arg18[%swap3A_274], %broadcast_in_dim3A_5 {strides = array<i32>} : memref<128xi32, #tpu.memory_space<vmem>>, vector<16xi32>,
              %cond3A_276 = arith.constant 0 : i32
              scf.yield %cond3A_276 : i32
            } else {
              scf.yield %scan3A_178 : i32
            }
            %mul3A_242 = arith.constant 32 : i32
            %mul3A_243 = arith.muli %scan3A_177, %mul3A_242 : i32
            %add3A_244 = arith.constant 0 : i32
            %add3A_245 = arith.addi %mul3A_243, %add3A_244 : i32
            %get3A_246 = arith.constant 0 : i32
            %get3A_247 = tpu.memref_slice %arg14[%scan3A_170, %get3A_246] : memref<2x10000xi32, #tpu.memory_space<vmem>> -> memref<1x10000xi32, #tpu.memory_space<vmem>>
            %get3A_248 = tpu.memref_squeeze %get3A_247 : memref<1x10000xi32, #tpu.memory_space<vmem>> -> memref<10000xi32, #tpu.memory_space<vmem>>
            %get3A_249 = arith.index_cast %add3A_245 : i32 to index
            %get3A_250 = tpu.vector_load %get3A_248[%get3A_249] {strides = array<i32>} : memref<10000xi32, #tpu.memory_space<vmem>>, vector<16xi32>,
            %swap3A_251 = arith.index_cast %cond3A_241 : i32 to index
            %swap3A_252 = tpu.vector_load %arg17[%swap3A_251] masked %ne3A_189 {strides = array<i32>} : memref<128xi32, #tpu.memory_space<vmem>>, vector<16xi32>, vector<16xi1>
            tpu.vector_store %arg17[%swap3A_251], %get3A_250 masked %ne3A_189 {strides = array<i32>} : memref<128xi32, #tpu.memory_space<vmem>>, vector<16xi32>, vector<16xi1>
            %swap3A_253 = arith.index_cast %cond3A_241 : i32 to index
            %swap3A_254 = tpu.vector_load %arg18[%swap3A_253] masked %ne3A_189 {strides = array<i32>} : memref<128xi32, #tpu.memory_space<vmem>>, vector<16xi32>, vector<16xi1>
            tpu.vector_store %arg18[%swap3A_253], %get3A_181 masked %ne3A_189 {strides = array<i32>} : memref<128xi32, #tpu.memory_space<vmem>>, vector<16xi32>, vector<16xi1>
            %convert_element_type3A_255 = arith.extui %ne3A_189 : vector<16xi1> to vector<16xi32>
            %reduce_sum3A = arith.constant true
            %reduce_sum3A_256 = vector.broadcast %reduce_sum3A : i1 to vector<16xi1>
            %reduce_sum3A_257 = tpu.scan <sum>, %convert_element_type3A_255 masked %reduce_sum3A_256 : vector<16xi32>, vector<16xi1> -> vector<16xi32>
            %reduce_sum3A_258 = vector.extract %reduce_sum3A_257[15] : i32 from vector<16xi32>
            %add3A_259 = arith.addi %cond3A_241, %reduce_sum3A_258 : i32
            scf.yield %add3A_259 : i32
          } else {
            scf.yield %scan3A_178 : i32
          }
          %reduce_or3A_222 = arith.constant 1.000000e+00 : f32
          %reduce_or3A_223 = arith.constant 0.000000e+00 : f32
          %reduce_or3A_224 = vector.broadcast %reduce_or3A_222 : f32 to vector<16xf32>
          %reduce_or3A_225 = vector.broadcast %reduce_or3A_223 : f32 to vector<16xf32>
          %reduce_or3A_226 = arith.select %ne3A_192, %reduce_or3A_224, %reduce_or3A_225 : vector<16xi1>, vector<16xf32>
          %reduce_or3A_227 = arith.constant true
          %reduce_or3A_228 = vector.broadcast %reduce_or3A_227 : i1 to vector<16xi1>
          %reduce_or3A_229 = tpu.scan <max>, %reduce_or3A_226 masked %reduce_or3A_228 : vector<16xf32>, vector<16xi1> -> vector<16xf32>
          %reduce_or3A_230 = vector.extract %reduce_or3A_229[15] : f32 from vector<16xf32>
          %reduce_or3A_231 = arith.constant 0.000000e+00 : f32
          %reduce_or3A_232 = arith.cmpf ogt, %reduce_or3A_230, %reduce_or3A_231 : f32
          %convert_element_type3A_233 = arith.extui %reduce_or3A_232 : i1 to i32
          %cond3A_234 = arith.constant 0 : i32
          %cond3A_235 = arith.cmpi ne, %convert_element_type3A_233, %cond3A_234 : i32
          %cond3A_236 = scf.if %cond3A_235 -> (i32) {
            %gt3A = arith.constant 112 : i32
            %gt3A_237 = arith.cmpi sgt, %cond3A_221, %gt3A : i32
            %convert_element_type3A_238 = arith.extui %gt3A_237 : i1 to i32
            %cond3A_239 = arith.constant 0 : i32
            %cond3A_240 = arith.cmpi ne, %convert_element_type3A_238, %cond3A_239 : i32
            %cond3A_241 = scf.if %cond3A_240 -> (i32) {
              "tpu.region"() ({
                %run_scoped3A = tpu.sem_alloc : memref<!tpu.dma_semaphore, #tpu.memory_space<semaphore_mem>>
                %dma_start3A_277 = arith.constant 0 : i32
                %dma_start3A_278 = arith.constant 0 : i32
                %dma_start3A_279 = tpu.memref_slice %arg5[%dma_start3A_277, %dma_start3A_278] : memref<100000x64xf32, #tpu.memory_space<hbm>> -> memref<100000x64xf32, #tpu.memory_space<hbm>>
                tpu.enqueue_indirect_dma source(%dma_start3A_279 : memref<100000x64xf32, #tpu.memory_space<hbm>>) target(%arg19 : memref<128x64xf32, #tpu.memory_space<vmem>>) offsets(%arg17 : memref<128xi32, #tpu.memory_space<vmem>>) semaphore(%run_scoped3A : memref<!tpu.dma_semaphore, #tpu.memory_space<semaphore_mem>>)
                %dma_wait3A_280 = arith.constant 0 : i32
                %dma_wait3A_281 = arith.constant 0 : i32
                %dma_wait3A_282 = tpu.memref_slice %arg5[%dma_wait3A_280, %dma_wait3A_281] : memref<100000x64xf32, #tpu.memory_space<hbm>> -> memref<100000x64xf32, #tpu.memory_space<hbm>>
                tpu.wait_indirect_dma semaphore(%run_scoped3A : memref<!tpu.dma_semaphore, #tpu.memory_space<semaphore_mem>>) src(%dma_wait3A_282 : memref<100000x64xf32, #tpu.memory_space<hbm>>) dst(%arg19 : memref<128x64xf32, #tpu.memory_space<vmem>>)
                tpu.yield
              }) : () -> ()
              "tpu.region"() ({
                %run_scoped3A = tpu.sem_alloc : memref<!tpu.dma_semaphore, #tpu.memory_space<semaphore_mem>>
                %dma_start3A_277 = arith.constant 0 : i32
                %dma_start3A_278 = arith.constant 0 : i32
                %dma_start3A_279 = tpu.memref_slice %arg27[%dma_start3A_277, %dma_start3A_278] : memref<1032x64xf32, #tpu.memory_space<vmem_shared>> -> memref<1032x64xf32, #tpu.memory_space<vmem_shared>>
                tpu.enqueue_indirect_dma source(%arg19 : memref<128x64xf32, #tpu.memory_space<vmem>>) target(%dma_start3A_279 : memref<1032x64xf32, #tpu.memory_space<vmem_shared>>) offsets(%arg18 : memref<128xi32, #tpu.memory_space<vmem>>) semaphore(%run_scoped3A : memref<!tpu.dma_semaphore, #tpu.memory_space<semaphore_mem>>) {add = true}
                %dma_wait3A_280 = arith.constant 0 : i32
                %dma_wait3A_281 = arith.constant 0 : i32
                %dma_wait3A_282 = tpu.memref_slice %arg27[%dma_wait3A_280, %dma_wait3A_281] : memref<1032x64xf32, #tpu.memory_space<vmem_shared>> -> memref<1032x64xf32, #tpu.memory_space<vmem_shared>>
                tpu.wait_indirect_dma semaphore(%run_scoped3A : memref<!tpu.dma_semaphore, #tpu.memory_space<semaphore_mem>>) src(%arg19 : memref<128x64xf32, #tpu.memory_space<vmem>>) dst(%dma_wait3A_282 : memref<1032x64xf32, #tpu.memory_space<vmem_shared>>)
                tpu.yield
              }) : () -> ()
              "tpu.region"() ({
                %run_scoped3A = tpu.sem_alloc : memref<!tpu.dma_semaphore, #tpu.memory_space<semaphore_mem>>
                %dma_start3A_277 = arith.constant 0 : i32
                %dma_start3A_278 = arith.constant 0 : i32
                %dma_start3A_279 = tpu.memref_slice %arg28[%dma_start3A_277, %dma_start3A_278] : memref<1032x16xf32, #tpu.memory_space<vmem_shared>> -> memref<1032x16xf32, #tpu.memory_space<vmem_shared>>
                tpu.enqueue_indirect_dma source(%arg20 : memref<128x16xf32, #tpu.memory_space<vmem>>) target(%dma_start3A_279 : memref<1032x16xf32, #tpu.memory_space<vmem_shared>>) offsets(%arg18 : memref<128xi32, #tpu.memory_space<vmem>>) semaphore(%run_scoped3A : memref<!tpu.dma_semaphore, #tpu.memory_space<semaphore_mem>>) {add = true}
                %dma_wait3A_280 = arith.constant 0 : i32
                %dma_wait3A_281 = arith.constant 0 : i32
                %dma_wait3A_282 = tpu.memref_slice %arg28[%dma_wait3A_280, %dma_wait3A_281] : memref<1032x16xf32, #tpu.memory_space<vmem_shared>> -> memref<1032x16xf32, #tpu.memory_space<vmem_shared>>
                tpu.wait_indirect_dma semaphore(%run_scoped3A : memref<!tpu.dma_semaphore, #tpu.memory_space<semaphore_mem>>) src(%arg20 : memref<128x16xf32, #tpu.memory_space<vmem>>) dst(%dma_wait3A_282 : memref<1032x16xf32, #tpu.memory_space<vmem_shared>>)
                tpu.yield
              }) : () -> ()
              %swap3A_260 = arith.constant 0 : index
              %swap3A_261 = tpu.vector_load %arg18[%swap3A_260] {strides = array<i32>} : memref<128xi32, #tpu.memory_space<vmem>>, vector<16xi32>,
              tpu.vector_store %arg18[%swap3A_260], %broadcast_in_dim3A_5 {strides = array<i32>} : memref<128xi32, #tpu.memory_space<vmem>>, vector<16xi32>,
              %swap3A_262 = arith.constant 16 : index
              %swap3A_263 = tpu.vector_load %arg18[%swap3A_262] {strides = array<i32>} : memref<128xi32, #tpu.memory_space<vmem>>, vector<16xi32>,
              tpu.vector_store %arg18[%swap3A_262], %broadcast_in_dim3A_5 {strides = array<i32>} : memref<128xi32, #tpu.memory_space<vmem>>, vector<16xi32>,
              %swap3A_264 = arith.constant 32 : index
              %swap3A_265 = tpu.vector_load %arg18[%swap3A_264] {strides = array<i32>} : memref<128xi32, #tpu.memory_space<vmem>>, vector<16xi32>,
              tpu.vector_store %arg18[%swap3A_264], %broadcast_in_dim3A_5 {strides = array<i32>} : memref<128xi32, #tpu.memory_space<vmem>>, vector<16xi32>,
              %swap3A_266 = arith.constant 48 : index
              %swap3A_267 = tpu.vector_load %arg18[%swap3A_266] {strides = array<i32>} : memref<128xi32, #tpu.memory_space<vmem>>, vector<16xi32>,
              tpu.vector_store %arg18[%swap3A_266], %broadcast_in_dim3A_5 {strides = array<i32>} : memref<128xi32, #tpu.memory_space<vmem>>, vector<16xi32>,
              %swap3A_268 = arith.constant 64 : index
              %swap3A_269 = tpu.vector_load %arg18[%swap3A_268] {strides = array<i32>} : memref<128xi32, #tpu.memory_space<vmem>>, vector<16xi32>,
              tpu.vector_store %arg18[%swap3A_268], %broadcast_in_dim3A_5 {strides = array<i32>} : memref<128xi32, #tpu.memory_space<vmem>>, vector<16xi32>,
              %swap3A_270 = arith.constant 80 : index
              %swap3A_271 = tpu.vector_load %arg18[%swap3A_270] {strides = array<i32>} : memref<128xi32, #tpu.memory_space<vmem>>, vector<16xi32>,
              tpu.vector_store %arg18[%swap3A_270], %broadcast_in_dim3A_5 {strides = array<i32>} : memref<128xi32, #tpu.memory_space<vmem>>, vector<16xi32>,
              %swap3A_272 = arith.constant 96 : index
              %swap3A_273 = tpu.vector_load %arg18[%swap3A_272] {strides = array<i32>} : memref<128xi32, #tpu.memory_space<vmem>>, vector<16xi32>,
              tpu.vector_store %arg18[%swap3A_272], %broadcast_in_dim3A_5 {strides = array<i32>} : memref<128xi32, #tpu.memory_space<vmem>>, vector<16xi32>,
              %swap3A_274 = arith.constant 112 : index
              %swap3A_275 = tpu.vector_load %arg18[%swap3A_274] {strides = array<i32>} : memref<128xi32, #tpu.memory_space<vmem>>, vector<16xi32>,
              tpu.vector_store %arg18[%swap3A_274], %broadcast_in_dim3A_5 {strides = array<i32>} : memref<128xi32, #tpu.memory_space<vmem>>, vector<16xi32>,
              %cond3A_276 = arith.constant 0 : i32
              scf.yield %cond3A_276 : i32
            } else {
              scf.yield %cond3A_221 : i32
            }
            %mul3A_242 = arith.constant 32 : i32
            %mul3A_243 = arith.muli %scan3A_177, %mul3A_242 : i32
            %add3A_244 = arith.constant 16 : i32
            %add3A_245 = arith.addi %mul3A_243, %add3A_244 : i32
            %get3A_246 = arith.constant 0 : i32
            %get3A_247 = tpu.memref_slice %arg14[%scan3A_170, %get3A_246] : memref<2x10000xi32, #tpu.memory_space<vmem>> -> memref<1x10000xi32, #tpu.memory_space<vmem>>
            %get3A_248 = tpu.memref_squeeze %get3A_247 : memref<1x10000xi32, #tpu.memory_space<vmem>> -> memref<10000xi32, #tpu.memory_space<vmem>>
            %get3A_249 = arith.index_cast %add3A_245 : i32 to index
            %get3A_250 = tpu.vector_load %get3A_248[%get3A_249] {strides = array<i32>} : memref<10000xi32, #tpu.memory_space<vmem>>, vector<16xi32>,
            %swap3A_251 = arith.index_cast %cond3A_241 : i32 to index
            %swap3A_252 = tpu.vector_load %arg17[%swap3A_251] masked %ne3A_192 {strides = array<i32>} : memref<128xi32, #tpu.memory_space<vmem>>, vector<16xi32>, vector<16xi1>
            tpu.vector_store %arg17[%swap3A_251], %get3A_250 masked %ne3A_192 {strides = array<i32>} : memref<128xi32, #tpu.memory_space<vmem>>, vector<16xi32>, vector<16xi1>
            %swap3A_253 = arith.index_cast %cond3A_241 : i32 to index
            %swap3A_254 = tpu.vector_load %arg18[%swap3A_253] masked %ne3A_192 {strides = array<i32>} : memref<128xi32, #tpu.memory_space<vmem>>, vector<16xi32>, vector<16xi1>
            tpu.vector_store %arg18[%swap3A_253], %get3A_187 masked %ne3A_192 {strides = array<i32>} : memref<128xi32, #tpu.memory_space<vmem>>, vector<16xi32>, vector<16xi1>
            %convert_element_type3A_255 = arith.extui %ne3A_192 : vector<16xi1> to vector<16xi32>
            %reduce_sum3A = arith.constant true
            %reduce_sum3A_256 = vector.broadcast %reduce_sum3A : i1 to vector<16xi1>
            %reduce_sum3A_257 = tpu.scan <sum>, %convert_element_type3A_255 masked %reduce_sum3A_256 : vector<16xi32>, vector<16xi1> -> vector<16xi32>
            %reduce_sum3A_258 = vector.extract %reduce_sum3A_257[15] : i32 from vector<16xi32>
            %add3A_259 = arith.addi %cond3A_241, %reduce_sum3A_258 : i32
            scf.yield %add3A_259 : i32
          } else {
            scf.yield %cond3A_221 : i32
          }
          scf.yield %cond3A_236 : i32
        } else {
          scf.yield %scan3A_178 : i32
        }
        scf.yield %cond3A_206 : i32
      }
      %scan3A_176 = arith.constant 312 : i32
      scf.yield %scan3A_175 : i32
    }
    %scan3A_63 = arith.constant 5 : i32
    "tpu.region"() ({
      %run_scoped3A = tpu.sem_alloc : memref<!tpu.dma_semaphore, #tpu.memory_space<semaphore_mem>>
      %dma_start3A_88 = arith.constant 0 : i32
      %dma_start3A_89 = arith.constant 0 : i32
      %dma_start3A_90 = tpu.memref_slice %arg5[%dma_start3A_88, %dma_start3A_89] : memref<100000x64xf32, #tpu.memory_space<hbm>> -> memref<100000x64xf32, #tpu.memory_space<hbm>>
      tpu.enqueue_indirect_dma source(%dma_start3A_90 : memref<100000x64xf32, #tpu.memory_space<hbm>>) target(%arg19 : memref<128x64xf32, #tpu.memory_space<vmem>>) offsets(%arg17 : memref<128xi32, #tpu.memory_space<vmem>>) semaphore(%run_scoped3A : memref<!tpu.dma_semaphore, #tpu.memory_space<semaphore_mem>>)
      %dma_wait3A = arith.constant 0 : i32
      %dma_wait3A_91 = arith.constant 0 : i32
      %dma_wait3A_92 = tpu.memref_slice %arg5[%dma_wait3A, %dma_wait3A_91] : memref<100000x64xf32, #tpu.memory_space<hbm>> -> memref<100000x64xf32, #tpu.memory_space<hbm>>
      tpu.wait_indirect_dma semaphore(%run_scoped3A : memref<!tpu.dma_semaphore, #tpu.memory_space<semaphore_mem>>) src(%dma_wait3A_92 : memref<100000x64xf32, #tpu.memory_space<hbm>>) dst(%arg19 : memref<128x64xf32, #tpu.memory_space<vmem>>)
      tpu.yield
    }) : () -> ()
    "tpu.region"() ({
      %run_scoped3A = tpu.sem_alloc : memref<!tpu.dma_semaphore, #tpu.memory_space<semaphore_mem>>
      %dma_start3A_88 = arith.constant 0 : i32
      %dma_start3A_89 = arith.constant 0 : i32
      %dma_start3A_90 = tpu.memref_slice %arg27[%dma_start3A_88, %dma_start3A_89] : memref<1032x64xf32, #tpu.memory_space<vmem_shared>> -> memref<1032x64xf32, #tpu.memory_space<vmem_shared>>
      tpu.enqueue_indirect_dma source(%arg19 : memref<128x64xf32, #tpu.memory_space<vmem>>) target(%dma_start3A_90 : memref<1032x64xf32, #tpu.memory_space<vmem_shared>>) offsets(%arg18 : memref<128xi32, #tpu.memory_space<vmem>>) semaphore(%run_scoped3A : memref<!tpu.dma_semaphore, #tpu.memory_space<semaphore_mem>>) {add = true}
      %dma_wait3A = arith.constant 0 : i32
      %dma_wait3A_91 = arith.constant 0 : i32
      %dma_wait3A_92 = tpu.memref_slice %arg27[%dma_wait3A, %dma_wait3A_91] : memref<1032x64xf32, #tpu.memory_space<vmem_shared>> -> memref<1032x64xf32, #tpu.memory_space<vmem_shared>>
      tpu.wait_indirect_dma semaphore(%run_scoped3A : memref<!tpu.dma_semaphore, #tpu.memory_space<semaphore_mem>>) src(%arg19 : memref<128x64xf32, #tpu.memory_space<vmem>>) dst(%dma_wait3A_92 : memref<1032x64xf32, #tpu.memory_space<vmem_shared>>)
      tpu.yield
    }) : () -> ()
    "tpu.region"() ({
      %run_scoped3A = tpu.sem_alloc : memref<!tpu.dma_semaphore, #tpu.memory_space<semaphore_mem>>
      %dma_start3A_88 = arith.constant 0 : i32
      %dma_start3A_89 = arith.constant 0 : i32
      %dma_start3A_90 = tpu.memref_slice %arg28[%dma_start3A_88, %dma_start3A_89] : memref<1032x16xf32, #tpu.memory_space<vmem_shared>> -> memref<1032x16xf32, #tpu.memory_space<vmem_shared>>
      tpu.enqueue_indirect_dma source(%arg20 : memref<128x16xf32, #tpu.memory_space<vmem>>) target(%dma_start3A_90 : memref<1032x16xf32, #tpu.memory_space<vmem_shared>>) offsets(%arg18 : memref<128xi32, #tpu.memory_space<vmem>>) semaphore(%run_scoped3A : memref<!tpu.dma_semaphore, #tpu.memory_space<semaphore_mem>>) {add = true}
      %dma_wait3A = arith.constant 0 : i32
      %dma_wait3A_91 = arith.constant 0 : i32
      %dma_wait3A_92 = tpu.memref_slice %arg28[%dma_wait3A, %dma_wait3A_91] : memref<1032x16xf32, #tpu.memory_space<vmem_shared>> -> memref<1032x16xf32, #tpu.memory_space<vmem_shared>>
      tpu.wait_indirect_dma semaphore(%run_scoped3A : memref<!tpu.dma_semaphore, #tpu.memory_space<semaphore_mem>>) src(%arg20 : memref<128x16xf32, #tpu.memory_space<vmem>>) dst(%dma_wait3A_92 : memref<1032x16xf32, #tpu.memory_space<vmem_shared>>)
      tpu.yield
    }) : () -> ()
    %swap3A_64 = arith.constant 0 : index
    %swap3A_65 = tpu.vector_load %arg18[%swap3A_64] {strides = array<i32>} : memref<128xi32, #tpu.memory_space<vmem>>, vector<16xi32>,
    tpu.vector_store %arg18[%swap3A_64], %broadcast_in_dim3A_5 {strides = array<i32>} : memref<128xi32, #tpu.memory_space<vmem>>, vector<16xi32>,
    %swap3A_66 = arith.constant 16 : index
    %swap3A_67 = tpu.vector_load %arg18[%swap3A_66] {strides = array<i32>} : memref<128xi32, #tpu.memory_space<vmem>>, vector<16xi32>,
    tpu.vector_store %arg18[%swap3A_66], %broadcast_in_dim3A_5 {strides = array<i32>} : memref<128xi32, #tpu.memory_space<vmem>>, vector<16xi32>,
    %swap3A_68 = arith.constant 32 : index
    %swap3A_69 = tpu.vector_load %arg18[%swap3A_68] {strides = array<i32>} : memref<128xi32, #tpu.memory_space<vmem>>, vector<16xi32>,
    tpu.vector_store %arg18[%swap3A_68], %broadcast_in_dim3A_5 {strides = array<i32>} : memref<128xi32, #tpu.memory_space<vmem>>, vector<16xi32>,
    %swap3A_70 = arith.constant 48 : index
    %swap3A_71 = tpu.vector_load %arg18[%swap3A_70] {strides = array<i32>} : memref<128xi32, #tpu.memory_space<vmem>>, vector<16xi32>,
    tpu.vector_store %arg18[%swap3A_70], %broadcast_in_dim3A_5 {strides = array<i32>} : memref<128xi32, #tpu.memory_space<vmem>>, vector<16xi32>,
    %swap3A_72 = arith.constant 64 : index
    %swap3A_73 = tpu.vector_load %arg18[%swap3A_72] {strides = array<i32>} : memref<128xi32, #tpu.memory_space<vmem>>, vector<16xi32>,
    tpu.vector_store %arg18[%swap3A_72], %broadcast_in_dim3A_5 {strides = array<i32>} : memref<128xi32, #tpu.memory_space<vmem>>, vector<16xi32>,
    %swap3A_74 = arith.constant 80 : index
    %swap3A_75 = tpu.vector_load %arg18[%swap3A_74] {strides = array<i32>} : memref<128xi32, #tpu.memory_space<vmem>>, vector<16xi32>,
    tpu.vector_store %arg18[%swap3A_74], %broadcast_in_dim3A_5 {strides = array<i32>} : memref<128xi32, #tpu.memory_space<vmem>>, vector<16xi32>,
    %swap3A_76 = arith.constant 96 : index
    %swap3A_77 = tpu.vector_load %arg18[%swap3A_76] {strides = array<i32>} : memref<128xi32, #tpu.memory_space<vmem>>, vector<16xi32>,
    tpu.vector_store %arg18[%swap3A_76], %broadcast_in_dim3A_5 {strides = array<i32>} : memref<128xi32, #tpu.memory_space<vmem>>, vector<16xi32>,
    %swap3A_78 = arith.constant 112 : index
    %swap3A_79 = tpu.vector_load %arg18[%swap3A_78] {strides = array<i32>} : memref<128xi32, #tpu.memory_space<vmem>>, vector<16xi32>,
    tpu.vector_store %arg18[%swap3A_78], %broadcast_in_dim3A_5 {strides = array<i32>} : memref<128xi32, #tpu.memory_space<vmem>>, vector<16xi32>,
    %barrier3A_80 = arith.constant 0 : index
    tpu.barrier barrier_id(%barrier3A_80)
    %eq3A_81 = arith.constant 0 : i32
    %eq3A_82 = arith.cmpi eq, %arg1, %eq3A_81 : i32
    %convert_element_type3A_83 = arith.extui %eq3A_82 : i1 to i32
    %cond3A_84 = arith.constant 0 : i32
    %cond3A_85 = arith.cmpi ne, %convert_element_type3A_83, %cond3A_84 : i32
    scf.if %cond3A_85 {
      "tpu.region"() ({
        %run_scoped3A = tpu.sem_alloc : memref<!tpu.dma_semaphore, #tpu.memory_space<semaphore_mem>>
        %dma_start3A_88 = arith.constant 0 : i32
        %dma_start3A_89 = arith.constant 0 : i32
        %dma_start3A_90 = tpu.memref_slice %arg10[%arg0, %dma_start3A_88, %dma_start3A_89] : memref<2x1032x64xf32, #tpu.memory_space<hbm>> -> memref<1x1032x64xf32, #tpu.memory_space<hbm>>
        %dma_start3A_91 = tpu.memref_squeeze %dma_start3A_90 : memref<1x1032x64xf32, #tpu.memory_space<hbm>> -> memref<1032x64xf32, #tpu.memory_space<hbm>>
        tpu.enqueue_dma source(%arg27 : memref<1032x64xf32, #tpu.memory_space<vmem_shared>>) target(%dma_start3A_91 : memref<1032x64xf32, #tpu.memory_space<hbm>>) target_semaphore(%run_scoped3A : memref<!tpu.dma_semaphore, #tpu.memory_space<semaphore_mem>>)
        %dma_wait3A = arith.constant 0 : i32
        %dma_wait3A_92 = arith.constant 0 : i32
        %dma_wait3A_93 = tpu.memref_slice %arg10[%arg0, %dma_wait3A, %dma_wait3A_92] : memref<2x1032x64xf32, #tpu.memory_space<hbm>> -> memref<1x1032x64xf32, #tpu.memory_space<hbm>>
        %dma_wait3A_94 = tpu.memref_squeeze %dma_wait3A_93 : memref<1x1032x64xf32, #tpu.memory_space<hbm>> -> memref<1032x64xf32, #tpu.memory_space<hbm>>
        tpu.wait_dma2 semaphore(%run_scoped3A : memref<!tpu.dma_semaphore, #tpu.memory_space<semaphore_mem>>) src(%arg27 : memref<1032x64xf32, #tpu.memory_space<vmem_shared>>) dst(%dma_wait3A_94 : memref<1032x64xf32, #tpu.memory_space<hbm>>)
        tpu.yield
      }) : () -> ()
      "tpu.region"() ({
        %run_scoped3A = tpu.sem_alloc : memref<!tpu.dma_semaphore, #tpu.memory_space<semaphore_mem>>
        %dma_start3A_88 = arith.constant 0 : i32
        %dma_start3A_89 = arith.constant 0 : i32
        %dma_start3A_90 = tpu.memref_slice %arg11[%arg0, %dma_start3A_88, %dma_start3A_89] : memref<2x1032x16xf32, #tpu.memory_space<hbm>> -> memref<1x1032x16xf32, #tpu.memory_space<hbm>>
        %dma_start3A_91 = tpu.memref_squeeze %dma_start3A_90 : memref<1x1032x16xf32, #tpu.memory_space<hbm>> -> memref<1032x16xf32, #tpu.memory_space<hbm>>
        tpu.enqueue_dma source(%arg28 : memref<1032x16xf32, #tpu.memory_space<vmem_shared>>) target(%dma_start3A_91 : memref<1032x16xf32, #tpu.memory_space<hbm>>) target_semaphore(%run_scoped3A : memref<!tpu.dma_semaphore, #tpu.memory_space<semaphore_mem>>)
        %dma_wait3A = arith.constant 0 : i32
        %dma_wait3A_92 = arith.constant 0 : i32
        %dma_wait3A_93 = tpu.memref_slice %arg11[%arg0, %dma_wait3A, %dma_wait3A_92] : memref<2x1032x16xf32, #tpu.memory_space<hbm>> -> memref<1x1032x16xf32, #tpu.memory_space<hbm>>
        %dma_wait3A_94 = tpu.memref_squeeze %dma_wait3A_93 : memref<1x1032x16xf32, #tpu.memory_space<hbm>> -> memref<1032x16xf32, #tpu.memory_space<hbm>>
        tpu.wait_dma2 semaphore(%run_scoped3A : memref<!tpu.dma_semaphore, #tpu.memory_space<semaphore_mem>>) src(%arg28 : memref<1032x16xf32, #tpu.memory_space<vmem_shared>>) dst(%dma_wait3A_94 : memref<1032x16xf32, #tpu.memory_space<hbm>>)
        tpu.yield
      }) : () -> ()
    } else {
    }
    %mul3A_86 = arith.constant 32 : i32
    %mul3A_87 = arith.muli %add3A, %mul3A_86 : i32
    "tpu.region"() ({
      %run_scoped3A = tpu.sem_alloc : memref<!tpu.dma_semaphore, #tpu.memory_space<semaphore_mem>>
      %dma_start3A_88 = tpu.memref_slice %arg6[%mul3A_87] : memref<1024xi32, #tpu.memory_space<hbm>> -> memref<32xi32, #tpu.memory_space<hbm>>
      %dma_start3A_89 = tpu.memref_slice %arg6[%mul3A_87] : memref<1024xi32, #tpu.memory_space<hbm>> -> memref<32xi32, #tpu.memory_space<hbm>>
      tpu.enqueue_dma source(%dma_start3A_89 : memref<32xi32, #tpu.memory_space<hbm>>) target(%arg21 : memref<32xi32, #tpu.memory_space<vmem>>) target_semaphore(%run_scoped3A : memref<!tpu.dma_semaphore, #tpu.memory_space<semaphore_mem>>)
      %dma_wait3A = tpu.memref_slice %arg6[%mul3A_87] : memref<1024xi32, #tpu.memory_space<hbm>> -> memref<32xi32, #tpu.memory_space<hbm>>
      %dma_wait3A_90 = tpu.memref_slice %arg6[%mul3A_87] : memref<1024xi32, #tpu.memory_space<hbm>> -> memref<32xi32, #tpu.memory_space<hbm>>
      tpu.wait_dma2 semaphore(%run_scoped3A : memref<!tpu.dma_semaphore, #tpu.memory_space<semaphore_mem>>) src(%dma_wait3A_90 : memref<32xi32, #tpu.memory_space<hbm>>) dst(%arg21 : memref<32xi32, #tpu.memory_space<vmem>>)
      tpu.yield
    }) : () -> ()
    "tpu.region"() ({
      %run_scoped3A = tpu.sem_alloc : memref<!tpu.dma_semaphore, #tpu.memory_space<semaphore_mem>>
      %dma_start3A_88 = arith.constant 0 : i32
      %dma_start3A_89 = arith.constant 0 : i32
      %dma_start3A_90 = tpu.memref_slice %arg5[%dma_start3A_88, %dma_start3A_89] : memref<100000x64xf32, #tpu.memory_space<hbm>> -> memref<100000x64xf32, #tpu.memory_space<hbm>>
      tpu.enqueue_indirect_dma source(%dma_start3A_90 : memref<100000x64xf32, #tpu.memory_space<hbm>>) target(%arg22 : memref<32x64xf32, #tpu.memory_space<vmem>>) offsets(%arg21 : memref<32xi32, #tpu.memory_space<vmem>>) semaphore(%run_scoped3A : memref<!tpu.dma_semaphore, #tpu.memory_space<semaphore_mem>>)
      %dma_wait3A = arith.constant 0 : i32
      %dma_wait3A_91 = arith.constant 0 : i32
      %dma_wait3A_92 = tpu.memref_slice %arg5[%dma_wait3A, %dma_wait3A_91] : memref<100000x64xf32, #tpu.memory_space<hbm>> -> memref<100000x64xf32, #tpu.memory_space<hbm>>
      tpu.wait_indirect_dma semaphore(%run_scoped3A : memref<!tpu.dma_semaphore, #tpu.memory_space<semaphore_mem>>) src(%dma_wait3A_92 : memref<100000x64xf32, #tpu.memory_space<hbm>>) dst(%arg22 : memref<32x64xf32, #tpu.memory_space<vmem>>)
      tpu.yield
    }) : () -> ()
    "tpu.region"() ({
      %run_scoped3A = tpu.sem_alloc : memref<!tpu.dma_semaphore, #tpu.memory_space<semaphore_mem>>
      %dma_start3A_88 = arith.constant 0 : i32
      %dma_start3A_89 = tpu.memref_slice %arg12[%mul3A_87, %dma_start3A_88] : memref<1024x64xf32, #tpu.memory_space<hbm>> -> memref<32x64xf32, #tpu.memory_space<hbm>>
      %dma_start3A_90 = arith.constant 0 : i32
      %dma_start3A_91 = tpu.memref_slice %arg12[%mul3A_87, %dma_start3A_90] : memref<1024x64xf32, #tpu.memory_space<hbm>> -> memref<32x64xf32, #tpu.memory_space<hbm>>
      tpu.enqueue_dma source(%arg22 : memref<32x64xf32, #tpu.memory_space<vmem>>) target(%dma_start3A_91 : memref<32x64xf32, #tpu.memory_space<hbm>>) target_semaphore(%run_scoped3A : memref<!tpu.dma_semaphore, #tpu.memory_space<semaphore_mem>>)
      %dma_wait3A = arith.constant 0 : i32
      %dma_wait3A_92 = tpu.memref_slice %arg12[%mul3A_87, %dma_wait3A] : memref<1024x64xf32, #tpu.memory_space<hbm>> -> memref<32x64xf32, #tpu.memory_space<hbm>>
      %dma_wait3A_93 = arith.constant 0 : i32
      %dma_wait3A_94 = tpu.memref_slice %arg12[%mul3A_87, %dma_wait3A_93] : memref<1024x64xf32, #tpu.memory_space<hbm>> -> memref<32x64xf32, #tpu.memory_space<hbm>>
      tpu.wait_dma2 semaphore(%run_scoped3A : memref<!tpu.dma_semaphore, #tpu.memory_space<semaphore_mem>>) src(%arg22 : memref<32x64xf32, #tpu.memory_space<vmem>>) dst(%dma_wait3A_94 : memref<32x64xf32, #tpu.memory_space<hbm>>)
      tpu.yield
    }) : () -> ()
    return
  }
}

module attributes {stable_mosaic.version = 14 : i64} {
  func.func @_proj_body(%arg0: i32, %arg1: memref<2000x768xf32, #tpu.memory_space<vmem>>, %arg2: memref<768x64xf32, #tpu.memory_space<vmem>>, %arg3: memref<2000x64xf32, #tpu.memory_space<vmem>>) attributes {dimension_semantics = [#tpu.dimension_semantics<arbitrary>], iteration_bounds = array<i64: 50>, scalar_prefetch = 0 : i64, scratch_operands = 0 : i64, tpu.core_type = #tpu.core_type<tc>, window_params = [{transform_indices = @transform_0, window_bounds = array<i64: 2000, 768>}, {pipeline_mode = #tpu.pipeline_mode<synchronous>, transform_indices = @transform_1, window_bounds = array<i64: 768, 64>}, {transform_indices = @transform_2, window_bounds = array<i64: 2000, 64>}]} {
    %get3A = arith.constant 0 : index
    %get3A_0 = arith.constant 0 : index
    %get3A_1 = vector.load %arg1[%get3A, %get3A_0] : memref<2000x768xf32, #tpu.memory_space<vmem>>, vector<2000x768xf32>
    %get3A_2 = arith.constant 0 : index
    %get3A_3 = arith.constant 0 : index
    %get3A_4 = vector.load %arg2[%get3A_2, %get3A_3] : memref<768x64xf32, #tpu.memory_space<vmem>>, vector<768x64xf32>
    %dot_general3A = arith.constant dense<0.000000e+00> : vector<2000x64xf32>
    %dot_general3A_5 = tpu.matmul %get3A_1, %get3A_4, %dot_general3A {dimension_numbers = #tpu.dot_dimension_numbers<[1], [0], [0], [1], [0, 0, 1, 1], [], []>, transpose_lhs_hint = false} : vector<2000x768xf32>, vector<768x64xf32>, vector<2000x64xf32> -> vector<2000x64xf32>
    %swap3A = arith.constant 0 : index
    %swap3A_6 = arith.constant 0 : index
    %swap3A_7 = vector.load %arg3[%swap3A, %swap3A_6] : memref<2000x64xf32, #tpu.memory_space<vmem>>, vector<2000x64xf32>
    tpu.vector_store %arg3[%swap3A, %swap3A_6], %dot_general3A_5 {strides = array<i32>} : memref<2000x64xf32, #tpu.memory_space<vmem>>, vector<2000x64xf32>,
    return
  }
  func.func @transform_0(%arg0: i32) -> (i32, i32) {
    %c0_i32 = arith.constant 0 : i32
    %c0_i32_0 = arith.constant 0 : i32
    return %arg0, %c0_i32 : i32, i32
  }
  func.func @transform_1(%arg0: i32) -> (i32, i32) {
    %c0_i32 = arith.constant 0 : i32
    %c0_i32_0 = arith.constant 0 : i32
    %c0_i32_1 = arith.constant 0 : i32
    return %c0_i32, %c0_i32_0 : i32, i32
  }
  func.func @transform_2(%arg0: i32) -> (i32, i32) {
    %c0_i32 = arith.constant 0 : i32
    %c0_i32_0 = arith.constant 0 : i32
    return %arg0, %c0_i32 : i32, i32
  }
}

module attributes {stable_mosaic.version = 14 : i64} {
  func.func @_head_body(%arg0: memref<2x1032x64xf32, #tpu.memory_space<vmem>>, %arg1: memref<2x1032x16xf32, #tpu.memory_space<vmem>>, %arg2: memref<1024x1xi32, #tpu.memory_space<vmem>>, %arg3: memref<1024x64xf32, #tpu.memory_space<vmem>>, %arg4: memref<64x8xf32, #tpu.memory_space<vmem>>, %arg5: memref<1x8xf32, #tpu.memory_space<vmem>>, %arg6: memref<1x64xf32, #tpu.memory_space<vmem>>, %arg7: memref<1024x8xf32, #tpu.memory_space<vmem>>) attributes {dimension_semantics = [], scalar_prefetch = 0 : i64, scratch_operands = 0 : i64, tpu.core_type = #tpu.core_type<tc>} {
    %get3A = arith.constant 0 : index
    %get3A_0 = arith.constant 0 : index
    %get3A_1 = arith.constant 0 : index
    %get3A_2 = vector.load %arg0[%get3A, %get3A_0, %get3A_1] : memref<2x1032x64xf32, #tpu.memory_space<vmem>>, vector<1x1032x64xf32>
    %get3A_3 = vector.shape_cast %get3A_2 : vector<1x1032x64xf32> to vector<1032x64xf32>
    %get3A_4 = arith.constant 1 : index
    %get3A_5 = arith.constant 0 : index
    %get3A_6 = arith.constant 0 : index
    %get3A_7 = vector.load %arg0[%get3A_4, %get3A_5, %get3A_6] : memref<2x1032x64xf32, #tpu.memory_space<vmem>>, vector<1x1032x64xf32>
    %get3A_8 = vector.shape_cast %get3A_7 : vector<1x1032x64xf32> to vector<1032x64xf32>
    %add3A = arith.addf %get3A_3, %get3A_8 : vector<1032x64xf32>
    %get3A_9 = arith.constant 0 : index
    %get3A_10 = arith.constant 0 : index
    %get3A_11 = arith.constant 0 : index
    %get3A_12 = vector.load %arg1[%get3A_9, %get3A_10, %get3A_11] : memref<2x1032x16xf32, #tpu.memory_space<vmem>>, vector<1x1032x16xf32>
    %get3A_13 = vector.shape_cast %get3A_12 : vector<1x1032x16xf32> to vector<1032x16xf32>
    %get3A_14 = arith.constant 1 : index
    %get3A_15 = arith.constant 0 : index
    %get3A_16 = arith.constant 0 : index
    %get3A_17 = vector.load %arg1[%get3A_14, %get3A_15, %get3A_16] : memref<2x1032x16xf32, #tpu.memory_space<vmem>>, vector<1x1032x16xf32>
    %get3A_18 = vector.shape_cast %get3A_17 : vector<1x1032x16xf32> to vector<1032x16xf32>
    %add3A_19 = arith.addf %get3A_13, %get3A_18 : vector<1032x16xf32>
    %slice3A = vector.extract_strided_slice %add3A_19 {offsets = [0, 0], sizes = [1032, 1], strides = [1, 1]} : vector<1032x16xf32> to vector<1032x1xf32>
    %get3A_20 = arith.constant 0 : index
    %get3A_21 = arith.constant 0 : index
    %get3A_22 = vector.load %arg2[%get3A_20, %get3A_21] : memref<1024x1xi32, #tpu.memory_space<vmem>>, vector<1024x1xi32>
    %iota3A = tpu.iota {dimensions = array<i32: 1>} : vector<1024x1032xi32>
    %eq3A = vector.broadcast %get3A_22 : vector<1024x1xi32> to vector<1024x1032xi32>
    %eq3A_23 = arith.cmpi eq, %iota3A, %eq3A : vector<1024x1032xi32>
    %convert_element_type3A = arith.extui %eq3A_23 : vector<1024x1032xi1> to vector<1024x1032xi32>
    %convert_element_type3A_24 = arith.sitofp %convert_element_type3A : vector<1024x1032xi32> to vector<1024x1032xf32>
    %dot_general3A = arith.constant dense<0.000000e+00> : vector<1024x64xf32>
    %dot_general3A_25 = tpu.matmul %convert_element_type3A_24, %add3A, %dot_general3A {dimension_numbers = #tpu.dot_dimension_numbers<[1], [0], [0], [1], [0, 0, 1, 1], [], []>, transpose_lhs_hint = false} : vector<1024x1032xf32>, vector<1032x64xf32>, vector<1024x64xf32> -> vector<1024x64xf32>
    %dot_general3A_26 = arith.constant dense<0.000000e+00> : vector<1024x1xf32>
    %dot_general3A_27 = tpu.matmul %convert_element_type3A_24, %slice3A, %dot_general3A_26 {dimension_numbers = #tpu.dot_dimension_numbers<[1], [0], [0], [1], [0, 0, 1, 1], [], []>, transpose_lhs_hint = false} : vector<1024x1032xf32>, vector<1032x1xf32>, vector<1024x1xf32> -> vector<1024x1xf32>
    %mul3A = arith.constant 9.99999974E-5 : f32
    %mul3A_28 = vector.broadcast %mul3A : f32 to vector<1024x64xf32>
    %mul3A_29 = arith.mulf %dot_general3A_25, %mul3A_28 : vector<1024x64xf32>
    %max3A = arith.constant 1.000000e+00 : f32
    %max3A_30 = vector.broadcast %max3A : f32 to vector<1024x1xf32>
    %max3A_31 = arith.maximumf %dot_general3A_27, %max3A_30 : vector<1024x1xf32>
    %div3A = vector.broadcast %max3A_31 : vector<1024x1xf32> to vector<1024x64xf32>
    %div3A_32 = arith.divf %mul3A_29, %div3A : vector<1024x64xf32>
    %get3A_33 = arith.constant 0 : index
    %get3A_34 = arith.constant 0 : index
    %get3A_35 = vector.load %arg3[%get3A_33, %get3A_34] : memref<1024x64xf32, #tpu.memory_space<vmem>>, vector<1024x64xf32>
    %add3A_36 = arith.addf %div3A_32, %get3A_35 : vector<1024x64xf32>
    %get3A_37 = arith.constant 0 : index
    %get3A_38 = arith.constant 0 : index
    %get3A_39 = vector.load %arg6[%get3A_37, %get3A_38] : memref<1x64xf32, #tpu.memory_space<vmem>>, vector<1x64xf32>
    %add3A_40 = vector.broadcast %get3A_39 : vector<1x64xf32> to vector<1024x64xf32>
    %add3A_41 = arith.addf %add3A_36, %add3A_40 : vector<1024x64xf32>
    %max3A_42 = arith.constant 0.000000e+00 : f32
    %max3A_43 = vector.broadcast %max3A_42 : f32 to vector<1024x64xf32>
    %max3A_44 = arith.maximumf %add3A_41, %max3A_43 : vector<1024x64xf32>
    %get3A_45 = arith.constant 0 : index
    %get3A_46 = arith.constant 0 : index
    %get3A_47 = vector.load %arg4[%get3A_45, %get3A_46] : memref<64x8xf32, #tpu.memory_space<vmem>>, vector<64x8xf32>
    %dot_general3A_48 = arith.constant dense<0.000000e+00> : vector<1024x8xf32>
    %dot_general3A_49 = tpu.matmul %max3A_44, %get3A_47, %dot_general3A_48 {dimension_numbers = #tpu.dot_dimension_numbers<[1], [0], [0], [1], [0, 0, 1, 1], [], []>, transpose_lhs_hint = false} : vector<1024x64xf32>, vector<64x8xf32>, vector<1024x8xf32> -> vector<1024x8xf32>
    %get3A_50 = arith.constant 0 : index
    %get3A_51 = arith.constant 0 : index
    %get3A_52 = vector.load %arg5[%get3A_50, %get3A_51] : memref<1x8xf32, #tpu.memory_space<vmem>>, vector<1x8xf32>
    %add3A_53 = vector.broadcast %get3A_52 : vector<1x8xf32> to vector<1024x8xf32>
    %add3A_54 = arith.addf %dot_general3A_49, %add3A_53 : vector<1024x8xf32>
    %iota3A_55 = tpu.iota {dimensions = array<i32: 1>} : vector<1024x8xi32>
    %lt3A = arith.constant 3 : i32
    %lt3A_56 = vector.broadcast %lt3A : i32 to vector<1024x8xi32>
    %lt3A_57 = arith.cmpi slt, %iota3A_55, %lt3A_56 : vector<1024x8xi32>
    %logistic3A = arith.negf %add3A_54 : vector<1024x8xf32>
    %logistic3A_58 = math.exp %logistic3A : vector<1024x8xf32>
    %logistic3A_59 = arith.constant 1.000000e+00 : f32
    %logistic3A_60 = vector.broadcast %logistic3A_59 : f32 to vector<1024x8xf32>
    %logistic3A_61 = arith.addf %logistic3A_60, %logistic3A_58 : vector<1024x8xf32>
    %logistic3A_62 = arith.divf %logistic3A_60, %logistic3A_61 : vector<1024x8xf32>
    %select_n3A = arith.select %lt3A_57, %logistic3A_62, %add3A_54 : vector<1024x8xi1>, vector<1024x8xf32>
    %swap3A = arith.constant 0 : index
    %swap3A_63 = arith.constant 0 : index
    %swap3A_64 = vector.load %arg7[%swap3A, %swap3A_63] : memref<1024x8xf32, #tpu.memory_space<vmem>>, vector<1024x8xf32>
    tpu.vector_store %arg7[%swap3A, %swap3A_63], %select_n3A {strides = array<i32>} : memref<1024x8xf32, #tpu.memory_space<vmem>>, vector<1024x8xf32>,
    return
  }
}

</mosaic_0001>

<sc_bundles>
// kernel: kernel.5.cloned.1.call-start
scs
__scs_entry_jumppad:
0x0: {  	(pc) =	sbr.rel $0x88, $3  }
0x1: {  	(tag) =	ssettag $0x0;
	lr =	simm.s32 $0x1  }
0x2: {  	[smem:$0x3F98] =	sst lr;
	_ =	strace $0xD0000000  }
0x3: {  	_ = 	snop  }
0x4: {  	_ = 	snop  }
0x5: {  	_ = 	snop  }
0x6: {  	_ = 	snop  }
0x7: {  	_ = 	snop  }
__scs_overlays_trampoline_lowered:
0x8: {  	[smem:$0x3FA7] =	sst s0  }
0x9: {  	[smem:$0x3FA8] =	sst s1  }
0xa: {  	[smem:$0x3FA9] =	sst s2  }
0xb: {  	[smem:$0x3FAA] =	sst s3  }
0xc: {  	[smem:$0x3FAB] =	sst s4  }
0xd: {  	[smem:$0x3FAC] =	sst s5  }
0xe: {  	[smem:$0x3FAD] =	sst s6  }
0xf: {  	[smem:$0x3FAE] =	sst s7  }
0x10: {  	[smem:$0x3FAF] =	sst s8  }
0x11: {  	[smem:$0x3FB0] =	sst s9;
	s0 =	simm.s32 @!p0 $0x0  }
0x12: {  	s1 =	sld [smem:$0x3F96];
	s0 =	simm.s32 @p0 $0x1  }
0x13: {  	[smem:$0x3FB1] =	sst s0;
	s0 =	simm.s32 @!p1 $0x0  }
0x14: {  	s2 =	sld [smem:$0x3F95];
	s0 =	simm.s32 @p1 $0x1  }
0x15: {  	[smem:$0x3FB2] =	sst s0;
	s0 =	simm.s32 @!p2 $0x0  }
0x16: {  	s3 =	sld [smem:$0x3FDB];
	s0 =	simm.s32 @p2 $0x1  }
0x17: {  	s4 =	simm.s32 $0x1BF5;
	[smem:$0x3FB4] =	sst s0  }
0x18: {  	s0 =	sld [smem:$0x3F97];
	_ =	swait.ge [sflag:s4], $0x0  }
0x19: {  	s7 =	sld [smem:$0x3F98]  }
0x1a: {  	s8 =	sadd.s32 $0xFFFFE003, lr  }
0x1b: {  	s9 =	sadd.s32 $0xFFFFFEF7, lr;
	s5 =	simm.s32 $0xFFFFFFFF;
	p2 =	slt.u32 s8, $0xFFFFF086  }
0x1c: {  	p1 =	slt.u32 s9, $0xF7A;
	s5 =	simm.s32 @!p2 $0x0  }
0x1d: {  	s5 =	simm.s32 @p1 $0x1;
	p0 =	seq.s32 s7, s2  }
0x1e: {  	s7 =	smul.u32 @!p0 $0xF7A, s2;
	p2 =	seq.s32 @!p0 s5, $0x0  }
0x1f: {  	s9 =	smul.u32 $0xF7A, s1;
	s8 =	simm.s32 @!p0 $0x1BF5;
	p2 =	por !p2, p0  }
0x20: {  	[sflag:s8] =	ssyncset.s32 @!p0 $0xFFFFF086;
	s6 =	sadd.s32 @!p0 s3, s7;
	s7 =	simm.s32 @!p0 $0x108  }
0x21: {  	s3 =	sadd.s32 s3, s9;
	s6 =	sadd.s32 @!p0 $0x88, s6;
	s7 =	simm.s32 @p2 $0x1082  }
0x22: {  	[simem:s7], [sflag:s8] =	dma.local @!p0 [hbm:s6], $0xF7A  }
0x23: {  	s9 =	sor.u32 $0xD0000000, s2;
	s6 =	simm.s32 $0x108;
	_ =	swait.ge @!p0 [sflag:s8], $0x0  }
0x24: {  	s3 =	sadd.s32 $0x88, s3;
	s6 =	simm.s32 @!p1 $0x1082;
	[sflag:s4] =	ssyncset.s32 $0xFFFFF086  }
0x25: {  	[simem:s6], [sflag:s4] =	dma.local [hbm:s3], $0xF7A  }
0x26: {  	[smem:$0x3F98] =	sst s1;
	(tag) =	ssettag s2;
	_ =	strace s9  }
0x27: {  	s1 =	sld [smem:$0x3FA8]  }
0x28: {  	s2 =	sld [smem:$0x3FA9]  }
0x29: {  	s4 =	sld [smem:$0x3FAB]  }
0x2a: {  	p0 =	seq.s32 s5, $0x0;
	s5 =	sld [smem:$0x3FAC]  }
0x2b: {  	s6 =	sld [smem:$0x3FAD]  }
0x2c: {  	s7 =	sld [smem:$0x3FAE]  }
0x2d: {  	s3 =	simm.s32 $0x108;
	s8 =	sld [smem:$0x3FAF]  }
0x2e: {  	s3 =	simm.s32 @!p0 $0x1082;
	s9 =	sld [smem:$0x3FB0]  }
0x2f: {  	lr =	sadd.s32 s0, s3;
	s0 =	sld [smem:$0x3FA7]  }
0x30: {  	s3 =	sld [smem:$0x3FAA]  }
0x31: {  	[smem:$0x3FB3] =	sst s10  }
0x32: {  	s10 =	sld [smem:$0x3FB1];
	_ =	sdelay $0x3  }
0x33: {  	p0 =	seq.s32 s10, $0x1;
	s10 =	sld [smem:$0x3FB3];
	_ =	sdelay $0x3  }
0x34: {  	[smem:$0x3FB3] =	sst s10  }
0x35: {  	s10 =	sld [smem:$0x3FB2];
	_ =	sdelay $0x3  }
0x36: {  	p1 =	seq.s32 s10, $0x1;
	s10 =	sld [smem:$0x3FB3];
	_ =	sdelay $0x3  }
0x37: {  	[smem:$0x3FB3] =	sst s10  }
0x38: {  	s10 =	sld [smem:$0x3FB4]  }
0x39: {  	_ = 	snop;
	(pc) =	sbr.ind lr, $3  }
0x3a: {  	_ = 	snop  }
0x3b: {  	_ = 	snop  }
0x3c: {  	p2 =	seq.s32 s10, $0x1;
	s10 =	sld [smem:$0x3FB3]  }
0x3d: {  	_ =	shalt  }
0x3e: {  	_ =	shalt  }
0x3f: {  	_ =	shalt  }
0x40: {  	_ =	shalt  }
0x41: {  	_ =	shalt  }
0x42: {  	_ =	shalt  }
0x43: {  	_ =	shalt  }
0x44: {  	_ =	shalt  }
0x45: {  	_ =	shalt  }
0x46: {  	_ =	shalt  }
0x47: {  	_ =	shalt  }
0x48: {  	_ =	shalt  }
0x49: {  	_ =	shalt  }
0x4a: {  	_ =	shalt  }
0x4b: {  	_ =	shalt  }
0x4c: {  	_ =	shalt  }
0x4d: {  	_ =	shalt  }
0x4e: {  	_ =	shalt  }
0x4f: {  	_ =	shalt  }
0x50: {  	_ =	shalt  }
0x51: {  	_ =	shalt  }
0x52: {  	_ =	shalt  }
0x53: {  	_ =	shalt  }
0x54: {  	_ =	shalt  }
0x55: {  	_ =	shalt  }
0x56: {  	_ =	shalt  }
0x57: {  	_ =	shalt  }
0x58: {  	_ =	shalt  }
0x59: {  	_ =	shalt  }
0x5a: {  	_ =	shalt  }
0x5b: {  	_ =	shalt  }
0x5c: {  	_ =	shalt  }
0x5d: {  	_ =	shalt  }
0x5e: {  	_ =	shalt  }
0x5f: {  	_ =	shalt  }
0x60: {  	_ =	shalt  }
0x61: {  	_ =	shalt  }
0x62: {  	_ =	shalt  }
0x63: {  	_ =	shalt  }
0x64: {  	_ =	shalt  }
0x65: {  	_ =	shalt  }
0x66: {  	_ =	shalt  }
0x67: {  	_ =	shalt  }
0x68: {  	_ =	shalt  }
0x69: {  	_ =	shalt  }
0x6a: {  	_ =	shalt  }
0x6b: {  	_ =	shalt  }
0x6c: {  	_ =	shalt  }
0x6d: {  	_ =	shalt  }
0x6e: {  	_ =	shalt  }
0x6f: {  	_ =	shalt  }
0x70: {  	_ =	shalt  }
0x71: {  	_ =	shalt  }
0x72: {  	_ =	shalt  }
0x73: {  	_ =	shalt  }
0x74: {  	_ =	shalt  }
0x75: {  	_ =	shalt  }
0x76: {  	_ =	shalt  }
0x77: {  	_ =	shalt  }
0x78: {  	_ =	shalt  }
0x79: {  	_ =	shalt  }
0x7a: {  	_ =	shalt  }
0x7b: {  	_ =	shalt  }
0x7c: {  	_ =	shalt  }
0x7d: {  	_ =	shalt  }
0x7e: {  	_ =	shalt  }
0x7f: {  	_ =	shalt  }
0x80: {  	_ =	shalt  }
0x81: {  	_ =	shalt  }
0x82: {  	_ =	shalt  }
0x83: {  	_ =	shalt  }
0x84: {  	_ =	shalt  }
0x85: {  	_ =	shalt  }
0x86: {  	_ =	shalt  }
0x87: {  	_ =	shalt  }
.Lfunc_end0:
.L_simem_size_0:
called_computation_lowered:
.L_overlay_start_0:
0x88: {  	s2 =	sld [smem:$0x3FD9]  }
0x89: {  	s3 =	sld [smem:$0x3FFE];
	_ =	sdelay $0x1  }
0x8a: {  	s1 =	srdreg.scid  }
0x8b: {  	s0 =	sand.u32 $0x1, s1  }
0x8c: {  	s14 =	sshll.u32 s0, $0xA;
	s2 =	sadd.s32 s3, s2  }
0x8d: {  	s2 =	sadd.s32 s2, s14  }
0x8e: {  	[smem:$0x3FBF] =	sst s2  }
0x8f: {  	_ = 	snop  }
0x90: {  	s2 =	sld [smem:$0x3FD0];
	_ =	sdelay $0x2  }
0x91: {  	s4 =	simm.s32 $0xA;
	s5 =	simm.s32 $0x10;
	s15 =	sld [smem:$0x3FC7]  }
0x92: {  	[smem:s5], [sflag:s4] =	dma.local [hbm:s2], $0x1  }
0x93: {  	_ =	swait.eq [sflag:s4], $0x1  }
0x94: {  	[sflag:s4] =	ssyncset.done $0x0  }
0x95: {  	[sflag:s4] =	ssyncadd.s32 $0xFFFFFFFF  }
0x96: {  	s16 =	sld [smem:$0x10];
	(tm) =	ssettm $0x1  }
0x97: {  	s17 =	sld [smem:$0x3FFB];
	_ =	sdelay $0x3  }
0x98: {  	_ =	strace s17  }
0x99: {  	s4 =	sld [smem:$0x3FFC];
	_ =	sdelay $0x3  }
0x9a: {  	_ =	strace s4  }
0x9b: {  	s4 =	sld [smem:$0x3FFD];
	_ =	sdelay $0x3  }
0x9c: {  	_ =	strace s4  }
0x9d: {  	_ =	strace $0x8FFFFFFF  }
0x9e: {  	s18 =	sld [smem:$0x3FDB];
	_ =	sdelay $0x1  }
0x9f: {  	s19 =	simm.s32 $_scs_section_size  }
0xa0: {  	s6 =	simm.s32 $_size__tile_overlayer_lowered;
	s7 =	simm.s32 $_tile_overlayer_lowered  }
0xa1: {  	s22 =	simm.s32 $0x1BFF;
	s21 =	sshll.u32 s7, $0x1;
	s4 =	sadd.s32 s19, s18  }
0xa2: {  	s8 =	simm.s32 $0x0;
	s20 =	sshll.u32 s6, $0x1;
	s6 =	sadd.s32 s21, s4  }
0xa3: {  	[timem:s8], [sflag:s22] =	dma.local [hbm:s6], s20  }
0xa4: {  	_ =	swait.ge [sflag:s22], s20  }
0xa5: {  	s5 =	ssub.s32 $0x0, s20;
	[sflag:s22] =	ssyncset.done $0x0  }
0xa6: {  	[sflag:s22] =	ssyncadd.s32 s5;
	_ =	sdelay $0x1  }
0xa7: {  	s23 =	simm.s32 $0x1B8B  }
0xa8: {  	_ =	swait.ge [sflag:s23], $0x1  }
0xa9: {  	[sflag:s23] =	ssyncset.done $0x0  }
0xaa: {  	s25 =	simm.s32 $0x1B8E;
	s24 =	sld [smem:$0x3FFE];
	[sflag:s23] =	ssyncadd.s32 $0xFFFFFFFF  }
0xab: {  	s26 =	simm.s32 $execute0_lowered;
	[smem:$0x3FD2] =	sst s25  }
0xac: {  	s6 =	sshll.u32 s26, $0x1;
	_ =	strace $0x80000046;
	[dreg:$0x1] =	wrdreg $0xFFFFFFFF  }
0xad: {  	s28 =	simm.s32 $_size_execute0_lowered;
	s4 =	sadd.s32 s4, s6;
	[dreg:$0x0] =	wrdreg $0x0  }
0xae: {  	s6 =	sshll.u32 s28, $0x1;
	[dreg:$0x2] =	wrdreg s4  }
0xaf: {  	[dreg:$0x3] =	wrdreg s6  }
0xb0: {  	[dreg:$0x4] =	wrdreg $0xC0  }
0xb1: {  	_ =	task [dreg:s8], $0x5FFFF  }
0xb2: {  	[dreg:$0x1] =	wrdreg $0xFFFFFFFF  }
0xb3: {  	[dreg:$0x0] =	wrdreg $0x60  }
0xb4: {  	[dreg:$0x2] =	wrdreg s24  }
0xb5: {  	[dreg:$0x3] =	wrdreg s15  }
0xb6: {  	[dreg:$0x4] =	wrdreg s16  }
0xb7: {  	[dreg:$0x5] =	wrdreg $0x1B7C00  }
0xb8: {  	[dreg:$0x6] =	wrdreg $0x1C7E00  }
0xb9: {  	[dreg:$0x7] =	wrdreg $0x9  }
0xba: {  	_ =	task.clear_ibuf [dreg:s8], $0x8FFFF;
	_ =	strace $0x90000046  }
0xbb: {  	s29 =	simm.s32 $0x9;
	_ =	strace $0x80000048  }
0xbc: {  	_ =	swait.ge [sflag:s29], $0x1  }
0xbd: {  	[sflag:s29] =	ssyncadd.s32 $0xFFFFFFFF  }
0xbe: {  	_ =	strace $0x90000048  }
0xbf: {  	_ =	sfence  }
0xc0: {  	s30 =	sld [smem:$0x0];
	_ =	sdelay $0x2  }
0xc1: {  	s31 =	sshll.u32 s1, $0xD;
	s1 =	sshrl.u32 s1, $0x2  }
0xc2: {  	s3 =	sand.u32 $0x4000, s31;
	s1 =	sadd.s32 s1, s30  }
0xc3: {  	s0 =	sor.u32 s3, s0;
	s1 =	sshll.u32 s1, $0x11  }
0xc4: {  	s0 =	sor.u32 s1, s0  }
0xc5: {  	s0 =	sadd.s32 $0x8F2B, s0  }
0xc6: {  	[sflag:s0] =	ssyncadd.remote.s32 $0x1  }
0xc7: {  	_ =	sfence.sel $0xFFFF  }
0xc8: {  	[dreg:$0x0] =	wrdreg $0xFFFFFFFF;
	(pc) =	sbr.abs _section_cstart, $3  }
0xc9: {  	[dreg:$0x1] =	wrdreg $0xFFFFFFFF  }
0xca: {  	_ =	task.clear_ibuf [dreg:s8], $0x2FFFF;
	_ =	strace $0x9FFFFFFF  }
0xcb: {  	(tm) =	ssettm $0x7FFFFFFF  }
tec
execute0_lowered:
.L_overlay_start_1:
0x0: {  	(tag) =	ssettag $0x1  }
0x1: {  	s0 =	rddreg [dreg:$0x0]  }
0x2: {  	s1 =	rddreg [dreg:$0x1]  }
0x3: {  	s2 =	rddreg [dreg:$0x3]  }
0x4: {  	s3 =	rddreg [dreg:$0x4]  }
0x5: {  	s4 =	simm.s32 $0x0;
	s7 =	srdreg.scid;
	s9 =	stileid.u32  }
0x6: {  	s28 =	simm.s32 $0x2;
	s29 =	simm.s32 $0xEA60;
	s30 =	simm.s32 $0x13880  }
0x7: {  	s31 =	simm.s32 $0x3;
	[smem:$0x7FF] =	sst s4;
	s5 =	sadd.s32 $0x65C00, s0  }
0x8: {  	s6 =	sadd.s32 $0x4000, s0;
	s7 =	sand.u32 $0x1, s7;
	s8 =	sadd.s32 $0xC7800, s0  }
0x9: {  	s11 =	sshll.u32 s9, $0x1;
	s13 =	sadd.s32 $0xC9200, s0;
	s20 =	sadd.s32 $0xCB400, s0  }
0xa: {  	p0 =	sne.s32 s9, $0x0;
	s9 =	simm.s32 $0x1AFC0;
	_ =	strace $0x80000047  }
0xb: {  	[dreg:$0x6] =	wrdreg s8;
	s10 =	smul.u32 $0x2040, s7;
	s8 =	sadd.s32 $0x24E200, s0  }
0xc: {  	s12 =	smul.u32 $0x810, s7;
	s11 =	sor.u32 s7, s11;
	[dreg:$0x7] =	wrdreg s13  }
0xd: {  	[dreg:$0x8] =	wrdreg s20;
	s7 =	ssub.s32 $0x2, s7;
	s20 =	sshrl.u32 @!p0 s2, $0x3  }
0xe: {  	s14 =	smul.u32 $0x186A0, s11;
	s21 =	sshll.u32 s11, $0x8;
	s15 =	sshrl.u32 s7, $0x1  }
0xf: {  	s25 =	sshll.u32 s11, $0x2;
	s10 =	sadd.s32 s10, s0;
	s12 =	sadd.s32 s12, s0  }
0x10: {  	s0 =	sadd.s32 s21, s0;
	s7 =	ssub.s32 s7, s15;
	s1 =	sadd.s32 s1, s25  }
0x11: {  	s21 =	sshrl.u32 @!p0 s3, $0x3;
	s25 =	simm.s32 $0x187A0;
	s16 =	sshrl.u32 s14, $0x3  }
0x12: {  	s13 =	sadd.s32 $0x2710, s14;
	s14 =	sadd.s32 $0x4E20, s14;
	s10 =	sadd.s32 $0xCD000, s10  }
0x13: {  	s24 =	sadd.s32 $0xCBE00, s12;
	[dreg:$0xd] =	wrdreg s1;
	s0 =	sadd.s32 $0xD1200, s0  }
0x14: {  	s26 =	smax.u32 s7, $0x1;
	s1 =	simm.s32 $0x80;
	[dreg:$0xb] =	wrdreg s10  }
.Ltmp0:
0x15: {  	s7 =	simm.s32 $0x1AFA0;
	[dreg:$0xc] =	wrdreg s24;
	(pc) =	sbr.rel .LBB2_1-.Ltmp0, $4  }
0x16: {  	s22 =	sadd.s32 s5, s16;
	s23 =	sadd.s32 s6, s16;
	[dreg:$0xe] =	wrdreg s0  }
0x17: {  	[dreg:$0xf] =	wrdreg s26;
	s16 =	simm.s32 $0x1A7A0;
	s26 =	simm.s32 $0x1  }
0x18: {  	s0 =	simm.s32 $0x4;
	s24 =	simm.s32 $0x18720;
	[dreg:$0x9] =	wrdreg s22  }
0x19: {  	v0 =	vimm.s32 $0x0;
	v1 =	vimm.s32 $0x400;
	v2 =	vimm.f32 $0.0e+00;
	s10 =	simm.s32 $0x0;
	[dreg:$0xa] =	wrdreg s23;
	s22 =	simm.s32 $0x5  }
.LBB2_15:
0x1a: {  	s11 =	simm.s32 $0x186A0  }
0x1b: {  	[tilespmem:s25], [sflag:$0x5] =	stream.indirect.gather [hbm4b:s8+s1], $0x40, s11, s1, $0xb8;
	[tilespmem:$0x1CBE8] =	vst v63  }
0x1c: {  	_ =	swait.ge [sflag:s22], $0x2000  }
0x1d: {  	[sflag:s22] =	ssyncset.done $0x0  }
0x1e: {  	[sflag:s22] =	ssyncadd.s32 $0xFFFFE000  }
0x1f: {  	[spmem:s2] =	stream.indirect.scatter.add.f32 [tilespmem:s25], [sflag:$0x5], $0x40, s24, s1, $0xb8;
	[tilespmem:$0x1CBE8] =	vst v63  }
0x20: {  	_ =	swait.ge [sflag:s22], $0x2000  }
0x21: {  	[sflag:s22] =	ssyncset.done $0x0  }
0x22: {  	s16 =	simm.s32 $0x1A7A0;
	[sflag:s22] =	ssyncadd.s32 $0xFFFFE000  }
0x23: {  	[spmem:s3] =	stream.indirect.scatter.add.f32 [tilespmem:s16], [sflag:$0x5], $0x10, s24, s1, $0xb8;
	[tilespmem:$0x1CBE8] =	vst v63  }
0x24: {  	_ =	swait.ge [sflag:s22], $0x800  }
0x25: {  	[sflag:s22] =	ssyncset.done $0x0  }
0x26: {  	[sflag:s22] =	ssyncadd.s32 $0xFFFFF800  }
0x27: {  	[tilespmem:$0x18720] =	vst v1  }
0x28: {  	[tilespmem:$0x18730] =	vst v1  }
0x29: {  	[tilespmem:$0x18740] =	vst v1  }
0x2a: {  	[tilespmem:$0x18750] =	vst v1  }
0x2b: {  	[tilespmem:$0x18760] =	vst v1  }
0x2c: {  	[tilespmem:$0x18770] =	vst v1  }
0x2d: {  	[tilespmem:$0x18780] =	vst v1  }
0x2e: {  	[tilespmem:$0x18790] =	vst v1  }
0x2f: {  	[bflag:$0x0] =	sbarrier.arrive $0xFFFF  }
0x30: {  	s11 =	simm.s32 @!p0 $0x1C05;
	s12 =	rddreg [dreg:$0xb]  }
0x31: {  	[hbm:s12], [sflag:s11] =	dma.local @!p0 [spmem:s20], $0x2040  }
0x32: {  	s12 =	simm.s32 @!p0 $0x5  }
0x33: {  	_ =	swait.ge @!p0 [sflag:s12], $0x2040  }
0x34: {  	[sflag:s12] =	ssyncset.done @!p0 $0x0  }
0x35: {  	s15 =	rddreg [dreg:$0xc];
	[sflag:s12] =	ssyncadd.s32 @!p0 $0xFFFFDFC0  }
0x36: {  	[hbm:s15], [sflag:s11] =	dma.local @!p0 [spmem:s21], $0x810  }
0x37: {  	_ =	swait.ge @!p0 [sflag:s12], $0x810  }
0x38: {  	[sflag:s12] =	ssyncset.done @!p0 $0x0  }
0x39: {  	s17 =	rddreg [dreg:$0xd];
	[sflag:s12] =	ssyncadd.s32 @!p0 $0xFFFFF7F0  }
0x3a: {  	[tilespmem:s7], [sflag:$0x5] =	stream.linear.gather [hbm4b:s17+s4], $0x20, $0x38;
	[tilespmem:$0x1CBE8] =	vst v63  }
0x3b: {  	_ =	swait.ge [sflag:s22], $0x20  }
0x3c: {  	[sflag:s22] =	ssyncset.done $0x0  }
0x3d: {  	s18 =	simm.s32 $0x20;
	[sflag:s22] =	ssyncadd.s32 $0xFFFFFFE0  }
0x3e: {  	[tilespmem:s9], [sflag:$0x5] =	stream.indirect.gather [hbm4b:s8+s18], $0x40, s7, s18, $0xb8;
	[tilespmem:$0x1CBE8] =	vst v63  }
0x3f: {  	_ =	swait.ge [sflag:s22], $0x800  }
0x40: {  	[sflag:s22] =	ssyncset.done $0x0  }
0x41: {  	s19 =	rddreg [dreg:$0xe];
	[sflag:s22] =	ssyncadd.s32 $0xFFFFF800  }
0x42: {  	[hbm4b:s19+s4] =	stream.linear.scatter [tilespmem:s9], [sflag:$0x5], $0x800, $0x38;
	[tilespmem:$0x1CBE8] =	vst v63  }
0x43: {  	_ =	swait.ge [sflag:s22], $0x800  }
0x44: {  	s10 =	sadd.s32 $0x1, s10;
	s23 =	rddreg [dreg:$0xf]  }
0x45: {  	p1 =	sne.s32 s10, s23  }
.Ltmp1:
0x46: {  	_ = 	snop;
	(pc) =	sbr.rel @!p1 .LBB2_16-.Ltmp1, $3  }
0x47: {  	_ =	sdelay $0x1  }
0x48: {  	[sflag:s22] =	ssyncset.done $0x0  }
0x49: {  	[sflag:s22] =	ssyncadd.s32 $0xFFFFF800  }
.LBB2_1:
0x4a: {  	s11 =	simm.s32 @!p0 $0x1C05;
	s12 =	rddreg [dreg:$0x7]  }
0x4b: {  	[spmem:s20], [sflag:s11] =	dma.local @!p0 [hbm:s12], $0x2040  }
0x4c: {  	s12 =	simm.s32 @!p0 $0x5  }
0x4d: {  	_ =	swait.ge @!p0 [sflag:s12], $0x2040  }
0x4e: {  	[sflag:s12] =	ssyncset.done @!p0 $0x0  }
0x4f: {  	s15 =	rddreg [dreg:$0x8];
	[sflag:s12] =	ssyncadd.s32 @!p0 $0xFFFFDFC0  }
0x50: {  	[spmem:s21], [sflag:s11] =	dma.local @!p0 [hbm:s15], $0x810  }
0x51: {  	_ =	swait.ge @!p0 [sflag:s12], $0x810  }
0x52: {  	[sflag:s12] =	ssyncset.done @!p0 $0x0  }
0x53: {  	[sflag:s12] =	ssyncadd.s32 @!p0 $0xFFFFF7F0  }
0x54: {  	[bflag:$0x0] =	sbarrier.arrive $0xFFFF  }
0x55: {  	s12 =	rddreg [dreg:$0x6]  }
0x56: {  	[tilespmem:s4], [sflag:$0x5] =	stream.linear.gather [hbm4b:s12+s4], $0xC350, $0x38;
	[tilespmem:$0x1CBE8] =	vst v63  }
0x57: {  	_ =	swait.ge [sflag:s22], $0xC350  }
0x58: {  	[sflag:s22] =	ssyncset.done $0x0  }
0x59: {  	[sflag:s22] =	ssyncadd.s32 $0xFFFF3CB0  }
0x5a: {  	s15 =	rddreg [dreg:$0x2]  }
0x5b: {  	[tilespmem:s16], [sflag:$0x5] =	stream.linear.gather [hbm4b:s15+s4], $0x800, $0x38;
	[tilespmem:$0x1CBE8] =	vst v63  }
0x5c: {  	_ =	swait.ge [sflag:s22], $0x800  }
0x5d: {  	[sflag:s22] =	ssyncset.done $0x0  }
0x5e: {  	[sflag:s22] =	ssyncadd.s32 $0xFFFFF800  }
0x5f: {  	[tilespmem:$0x186A0] =	vst v0  }
0x60: {  	[tilespmem:$0x18720] =	vst v1  }
0x61: {  	[tilespmem:$0x186B0] =	vst v0  }
0x62: {  	[tilespmem:$0x18730] =	vst v1  }
0x63: {  	[tilespmem:$0x186C0] =	vst v0  }
0x64: {  	[tilespmem:$0x18740] =	vst v1  }
0x65: {  	[tilespmem:$0x186D0] =	vst v0  }
0x66: {  	[tilespmem:$0x18750] =	vst v1  }
0x67: {  	[tilespmem:$0x186E0] =	vst v0  }
0x68: {  	[tilespmem:$0x18760] =	vst v1  }
0x69: {  	[tilespmem:$0x186F0] =	vst v0  }
0x6a: {  	[tilespmem:$0x18770] =	vst v1  }
0x6b: {  	[tilespmem:$0x18700] =	vst v0  }
0x6c: {  	[tilespmem:$0x18780] =	vst v1  }
0x6d: {  	[tilespmem:$0x18710] =	vst v0  }
.Ltmp2:
0x6e: {  	s18 =	simm.s32 $0xC350;
	s17 =	rddreg [dreg:$0x9];
	[tilespmem:$0x18790] =	vst v1;
	(pc) =	sbr.rel .LBB2_2-.Ltmp2, $4  }
0x6f: {  	[tilespmem:s18], [sflag:$0x1] =	stream.linear.gather [hbm4b:s17+s4], $0x2710, $0x38;
	[tilespmem:$0x1CBE8] =	vst v63  }
0x70: {  	s23 =	simm.s32 $0x11170;
	s19 =	rddreg [dreg:$0xa]  }
0x71: {  	[tilespmem:s23], [sflag:$0x2] =	stream.linear.gather [hbm4b:s19+s4], $0x2710, $0x38;
	[tilespmem:$0x1CBE8] =	vst v63  }
0x72: {  	s11 =	simm.s32 $0x0;
	s23 =	simm.s32 $0x0  }
.LBB2_14:
0x73: {  	s23 =	sadd.s32 $0x1, s23  }
0x74: {  	p1 =	sne.s32 s23, $0x5  }
.Ltmp3:
0x75: {  	_ = 	snop;
	(pc) =	sbr.rel @!p1 .LBB2_15-.Ltmp3, $1  }
0x76: {  	_ =	sdelay $0x3  }
.LBB2_2:
0x77: {  	_ =	swait.ge [sflag:s26], $0x2710  }
0x78: {  	s12 =	smul.u32 $0x4E20, s23;
	[sflag:s26] =	ssyncset.done $0x0  }
0x79: {  	[sflag:s26] =	ssyncadd.s32 $0xFFFFD8F0  }
0x7a: {  	s15 =	sadd.s32 s12, s13;
	_ =	swait.ge [sflag:s28], $0x2710  }
0x7b: {  	s15 =	sshrl.u32 s15, $0x3;
	[sflag:s28] =	ssyncset.done $0x0  }
0x7c: {  	s16 =	sadd.s32 s5, s15;
	[sflag:s28] =	ssyncadd.s32 $0xFFFFD8F0  }
0x7d: {  	[tilespmem:s29], [sflag:$0x3] =	stream.linear.gather [hbm4b:s16+s4], $0x2710, $0x38;
	[tilespmem:$0x1CBE8] =	vst v63  }
0x7e: {  	s18 =	simm.s32 $0x111B0;
	s15 =	sadd.s32 s6, s15  }
0x7f: {  	[tilespmem:s30], [sflag:$0x4] =	stream.linear.gather [hbm4b:s15+s4], $0x2710, $0x38;
	[tilespmem:$0x1CBE8] =	vst v63  }
0x80: {  	v3 =	vld [tilespmem:s18+$0x30]  }
0x81: {  	v4 =	vld [tilespmem:s18+$0xFFFFFFD0]  }
0x82: {  	v5 =	vld [tilespmem:s18+$0xFFFFFFE0]  }
0x83: {  	v6 =	vld [tilespmem:s18+$0xFFFFFFF0]  }
0x84: {  	v12 =	vld [tilespmem:s18+$0x20]  }
0x85: {  	v14 =	vld [tilespmem:s18+$0xFFFFFFC0]  }
0x86: {  	v7 =	vld [tilespmem:s18+$0x0]  }
0x87: {  	v9 =	vshrl.u32 v3, $0x1  }
0x88: {  	s19 =	simm.s32 $0x11230;
	v8 =	vld [tilespmem:s18+$0x10];
	v10 =	vshrl.u32 v4, $0x1  }
0x89: {  	v18 =	vld [tilespmem:s19+$0x30];
	v11 =	vshrl.u32 v5, $0x1;
	v13 =	vshrl.u32 v6, $0x1;
	v17 =	vshrl.u32 v12, $0x1  }
0x8a: {  	v20 =	vld [tilespmem:s19+$0xFFFFFFD0];
	v12 =	vshll.u32 v12, $0x4;
	v19 =	vshrl.u32 v14, $0x1;
	v14 =	vshll.u32 v14, $0x4  }
0x8b: {  	v15 =	vshrl.u32 v7, $0x1;
	v21 =	vand.u32 $0x10, v12;
	v12 =	vand.u32 $0x10, v14;
	v14 =	vld [tilespmem:s19+$0xFFFFFFE0]  }
0x8c: {  	v9 =	vld.idx.msk [tilespmem:v9+s4+$0x0], $0xffff  }
0x8d: {  	v10 =	vld.idx.msk [tilespmem:v10+s4+$0x0], $0xffff  }
0x8e: {  	v16 =	vshrl.u32 v8, $0x1;
	v11 =	vld.idx.msk [tilespmem:v11+s4+$0x0], $0xffff  }
0x8f: {  	v13 =	vld.idx.msk [tilespmem:v13+s4+$0x0], $0xffff  }
0x90: {  	v4 =	vshll.u32 v4, $0x4;
	v5 =	vshll.u32 v5, $0x4;
	v6 =	vshll.u32 v6, $0x4;
	v15 =	vld.idx.msk [tilespmem:v15+s4+$0x0], $0xffff  }
0x91: {  	v7 =	vshll.u32 v7, $0x4;
	v8 =	vshll.u32 v8, $0x4;
	v3 =	vshll.u32 v3, $0x4;
	v19 =	vld.idx.msk [tilespmem:v19+s4+$0x0], $0xffff  }
0x92: {  	v24 =	vshrl.u32 v20, $0x1;
	v4 =	vand.u32 $0x10, v4;
	v5 =	vand.u32 $0x10, v5  }
0x93: {  	v6 =	vand.u32 $0x10, v6;
	v7 =	vand.u32 $0x10, v7;
	v3 =	vand.u32 $0x10, v3;
	v16 =	vld.idx.msk [tilespmem:v16+s4+$0x0], $0xffff  }
0x94: {  	v8 =	vand.u32 $0x10, v8;
	v26 =	vshrl.u32 v14, $0x1;
	v3 =	vshrl.u32 v9, v3;
	v9 =	vld [tilespmem:s19+$0xFFFFFFF0]  }
0x95: {  	v4 =	vshrl.u32 v10, v4;
	v5 =	vshrl.u32 v11, v5;
	v11 =	vld [tilespmem:s19+$0x0];
	v6 =	vshrl.u32 v13, v6  }
0x96: {  	v7 =	vshrl.u32 v15, v7;
	v13 =	vld [tilespmem:s19+$0x10];
	v15 =	vshrl.u32 v18, $0x1;
	v19 =	vshrl.u32 v19, v12  }
0x97: {  	v25 =	vld [tilespmem:s19+$0x20];
	v18 =	vshll.u32 v18, $0x4;
	v3 =	vand.u32 $0xFFFF, v3;
	v22 =	vand.u32 $0xFFFF, v6  }
0x98: {  	v23 =	vand.u32 $0xFFFF, v7;
	v6 =	vshrl.u32 v16, v8;
	v7 =	vshll.u32 v20, $0x4  }
0x99: {  	v20 =	vld [tilespmem:s19+$0xFFFFFFC0];
	v27 =	vand.u32 $0xFFFF, v6;
	v6 =	vshll.u32 v14, $0x4;
	v14 =	vshrl.u32 v9, $0x1  }
0x9a: {  	s15 =	simm.s32 $0x15FD0;
	v29 =	vld.idx.msk [tilespmem:v17+s4+$0x0], $0xffff;
	v4 =	vand.u32 $0xFFFF, v4;
	v5 =	vand.u32 $0xFFFF, v5;
	v28 =	vshrl.u32 v11, $0x1  }
0x9b: {  	v16 =	vld.idx.msk [tilespmem:v24+s4+$0x0], $0xffff;
	v18 =	vand.u32 $0x10, v18;
	v19 =	vand.u32 $0xFFFF, v19;
	[tilespmem:s15+$0x30] =	vst v3;
	v30 =	vshrl.u32 v13, $0x1  }
0x9c: {  	v10 =	vand.u32 $0x10, v7;
	[tilespmem:s15+$0xFFFFFFE0] =	vst v5;
	v5 =	vshrl.u32 v25, $0x1;
	v3 =	vshll.u32 v9, $0x4;
	v17 =	vld.idx.msk [tilespmem:v15+s4+$0x0], $0xffff  }
0x9d: {  	[tilespmem:s15+$0xFFFFFFD0] =	vst v4;
	v6 =	vand.u32 $0x10, v6;
	v7 =	vshll.u32 v11, $0x4;
	v15 =	vld.idx.msk [tilespmem:v26+s4+$0x0], $0xffff;
	v9 =	vand.u32 $0x10, v3  }
0x9e: {  	[tilespmem:s15+$0xFFFFFFF0] =	vst v22;
	v7 =	vand.u32 $0x10, v7;
	v3 =	vshll.u32 v13, $0x4;
	v11 =	vshrl.u32 v20, $0x1;
	v14 =	vld.idx.msk [tilespmem:v14+s4+$0x0], $0xffff  }
0x9f: {  	[tilespmem:s15+$0x0] =	vst v23;
	v4 =	vshll.u32 v20, $0x4;
	v8 =	vand.u32 $0x10, v3;
	v3 =	vshll.u32 v25, $0x4;
	v12 =	vld.idx.msk [tilespmem:v28+s4+$0x0], $0xffff  }
0xa0: {  	s17 =	simm.s32 $0x112B0;
	s16 =	simm.s32 $0x8;
	[tilespmem:s15+$0x10] =	vst v27;
	v20 =	vshrl.u32 v29, v21;
	v4 =	vand.u32 $0x10, v4;
	v3 =	vand.u32 $0x10, v3;
	v13 =	vld.idx.msk [tilespmem:v30+s4+$0x0], $0xffff  }
.LBB2_3:
0xa1: {  	v21 =	vld [tilespmem:s17+$0x30];
	s16 =	sadd.s32 $0x8, s16;
	v17 =	vshrl.u32 v17, v18;
	[tilespmem:s15+$0xFFFFFFC0] =	vst v19;
	v18 =	vand.u32 $0xFFFF, v20  }
0xa2: {  	v10 =	vshrl.u32 v16, v10;
	v19 =	vld [tilespmem:s17+$0xFFFFFFD0];
	p1 =	slt.u32 s16, $0x268;
	v16 =	vand.u32 $0xFFFF, v17;
	[tilespmem:s15+$0x20] =	vst v18;
	s15 =	sadd.s32 $0x80, s15  }
0xa3: {  	v10 =	vand.u32 $0xFFFF, v10;
	v6 =	vshrl.u32 v15, v6;
	v17 =	vld [tilespmem:s17+$0xFFFFFFE0];
	[tilespmem:s15+$0x30] =	vst v16  }
0xa4: {  	v6 =	vand.u32 $0xFFFF, v6;
	v9 =	vshrl.u32 v14, v9;
	v15 =	vld [tilespmem:s17+$0xFFFFFFF0];
	[tilespmem:s15+$0xFFFFFFD0] =	vst v10  }
0xa5: {  	v7 =	vshrl.u32 v12, v7;
	v14 =	vld [tilespmem:s17+$0x0];
	[tilespmem:s15+$0xFFFFFFE0] =	vst v6;
	v6 =	vand.u32 $0xFFFF, v9  }
0xa6: {  	v12 =	vld [tilespmem:s17+$0x10];
	v16 =	vshrl.u32 v21, $0x1;
	[tilespmem:s15+$0xFFFFFFF0] =	vst v6;
	v6 =	vand.u32 $0xFFFF, v7;
	v7 =	vshrl.u32 v13, v8  }
0xa7: {  	v8 =	vshrl.u32 v19, $0x1;
	v9 =	vshll.u32 v19, $0x4;
	v13 =	vld [tilespmem:s17+$0x20];
	[tilespmem:s15+$0x0] =	vst v6;
	v6 =	vand.u32 $0xFFFF, v7  }
0xa8: {  	v18 =	vld [tilespmem:s17+$0xFFFFFFC0];
	v10 =	vand.u32 $0x10, v9;
	v19 =	vshrl.u32 v17, $0x1;
	v7 =	vshll.u32 v17, $0x4;
	[tilespmem:s15+$0x10] =	vst v6  }
0xa9: {  	v6 =	vand.u32 $0x10, v7;
	v20 =	vshrl.u32 v15, $0x1;
	v7 =	vshll.u32 v15, $0x4;
	v22 =	vld.idx.msk [tilespmem:v11+s4+$0x0], $0xffff  }
0xaa: {  	v9 =	vand.u32 $0x10, v7;
	v23 =	vshrl.u32 v14, $0x1;
	v7 =	vshll.u32 v14, $0x4;
	v24 =	vld.idx.msk [tilespmem:v5+s4+$0x0], $0xffff  }
0xab: {  	v7 =	vand.u32 $0x10, v7;
	v25 =	vshrl.u32 v12, $0x1;
	v5 =	vshll.u32 v12, $0x4;
	v17 =	vld.idx.msk [tilespmem:v16+s4+$0x0], $0xffff  }
.Ltmp4:
0xac: {  	v16 =	vld.idx.msk [tilespmem:v8+s4+$0x0], $0xffff;
	v8 =	vand.u32 $0x10, v5;
	v5 =	vshrl.u32 v13, $0x1;
	v12 =	vshll.u32 v13, $0x4;
	(pc) =	sbr.rel @p1 .LBB2_3-.Ltmp4, $4  }
0xad: {  	v11 =	vshrl.u32 v18, $0x1;
	v13 =	vshll.u32 v18, $0x4;
	v15 =	vld.idx.msk [tilespmem:v19+s4+$0x0], $0xffff;
	v26 =	vand.u32 $0x10, v12  }
0xae: {  	v13 =	vand.u32 $0x10, v13;
	v14 =	vld.idx.msk [tilespmem:v20+s4+$0x0], $0xffff  }
0xaf: {  	v18 =	vshll.u32 v21, $0x4;
	v19 =	vshrl.u32 v22, v4;
	v12 =	vld.idx.msk [tilespmem:v23+s4+$0x0], $0xffff;
	v4 =	vmov v13  }
0xb0: {  	s17 =	sadd.s32 $0x80, s17;
	v18 =	vand.u32 $0x10, v18;
	v19 =	vand.u32 $0xFFFF, v19;
	v20 =	vshrl.u32 v24, v3;
	v3 =	vmovc v26;
	v13 =	vld.idx.msk [tilespmem:v25+s4+$0x0], $0xffff  }
0xb1: {  	_ =	sdelay $0x2  }
0xb2: {  	v17 =	vshrl.u32 v17, v18;
	[tilespmem:s15+$0xFFFFFFC0] =	vst v19;
	v57 =	vand.u32 $0xFFFF, v20  }
0xb3: {  	v10 =	vshrl.u32 v16, v10;
	s19 =	sadd.s32 $0x80, s15;
	v11 =	vld.idx.msk [tilespmem:v11+s4+$0x0], $0xffff;
	v58 =	vand.u32 $0xFFFF, v17;
	[tilespmem:s15+$0x20] =	vst v57  }
0xb4: {  	v5 =	vld.idx.msk [tilespmem:v5+s4+$0x0], $0xffff;
	v10 =	vand.u32 $0xFFFF, v10;
	v6 =	vshrl.u32 v15, v6;
	[tilespmem:s19+$0x30] =	vst v58  }
0xb5: {  	[tilespmem:s19+$0xFFFFFFD0] =	vst v10;
	v6 =	vand.u32 $0xFFFF, v6;
	v9 =	vshrl.u32 v14, v9  }
0xb6: {  	[tilespmem:s19+$0xFFFFFFE0] =	vst v6;
	v59 =	vand.u32 $0xFFFF, v9;
	v7 =	vshrl.u32 v12, v7  }
0xb7: {  	[tilespmem:s19+$0xFFFFFFF0] =	vst v59;
	v60 =	vand.u32 $0xFFFF, v7;
	v61 =	vshrl.u32 v13, v8  }
0xb8: {  	[tilespmem:s19+$0x0] =	vst v60;
	v62 =	vand.u32 $0xFFFF, v61;
	v4 =	vshrl.u32 v11, v4  }
0xb9: {  	v3 =	vshrl.u32 v5, v3;
	[tilespmem:s19+$0x10] =	vst v62;
	v4 =	vand.u32 $0xFFFF, v4  }
0xba: {  	v3 =	vand.u32 $0xFFFF, v3;
	[tilespmem:s19+$0xFFFFFFC0] =	vst v4  }
0xbb: {  	[tilespmem:s19+$0x20] =	vst v3  }
0xbc: {  	v3 =	vld [tilespmem:$0x13870];
	_ =	sdelay $0x4  }
0xbd: {  	v63 =	vshrl.u32 v3, $0x1;
	_ =	sdelay $0x3  }
0xbe: {  	s15 =	simm.s32 $0x0  }
0xbf: {  	v4 =	vld.idx.msk [tilespmem:v63+s15+$0x0], $0xffff;
	_ =	sdelay $0x2  }
.Ltmp5:
0xc0: {  	v3 =	vshll.u32 v3, $0x4;
	(pc) =	sbr.rel .LBB2_5-.Ltmp5, $4  }
0xc1: {  	v3 =	vand.u32 $0x10, v3  }
0xc2: {  	v3 =	vshrl.u32 v4, v3  }
0xc3: {  	v3 =	vand.u32 $0xFFFF, v3  }
0xc4: {  	[tilespmem:$0x18690] =	vst v3  }
.LBB2_7:
0xc5: {  	s15 =	sadd.s32 $0x80, s15  }
0xc6: {  	p1 =	sne.s32 s15, $0x9C00  }
.Ltmp6:
0xc7: {  	_ = 	snop;
	(pc) =	sbr.rel @!p1 .LBB2_8-.Ltmp6, $1  }
0xc8: {  	_ =	sdelay $0x3  }
.LBB2_5:
0xc9: {  	s16 =	sshra.s32 s15, $0x2  }
0xca: {  	v4 =	vld [tilespmem:s16+$0x15F90]  }
0xcb: {  	v3 =	vld [tilespmem:s16+$0x15FA0];
	_ =	sdelay $0x4  }
0xcc: {  	vm1 =	vne.s32 v4, $0xFFFF;
	vm0 =	vne.s32 v3, $0xFFFF  }
0xcd: {  	vm2 =	vmor vm1, vm0  }
0xce: {  	v5 =	vsel vm2, $0x3F800000, v2  }
0xcf: {  	(xrf0) =	vmax.scan.msk.f32 $0xffff, v5;
	_ =	sdelay $0x5  }
0xd0: {  	v5, _, _ =	vpop (xrf0)  }
0xd1: {  	(v2sf) =	vpush v5, $0xF;
	_ =	sdelay $0xe  }
0xd2: {  	s19 =	spop (v2sf)  }
0xd3: {  	p1 =	sgt.f32 s19, $0.0e+00  }
.Ltmp7:
0xd4: {  	_ = 	snop;
	(pc) =	sbr.rel @!p1 .LBB2_7-.Ltmp7, $1  }
0xd5: {  	_ =	sdelay $0x3  }
0xd6: {  	v5 =	vsel vm1, $0x3F800000, v2  }
0xd7: {  	(xrf0) =	vmax.scan.msk.f32 $0xffff, v5;
	_ =	sdelay $0x5  }
0xd8: {  	v5, _, _ =	vpop (xrf0)  }
0xd9: {  	(v2sf) =	vpush v5, $0xF;
	_ =	sdelay $0xe  }
0xda: {  	s16 =	spop (v2sf)  }
0xdb: {  	p1 =	sgt.f32 s16, $0.0e+00;
	_ =	sdelay $0x1  }
0xdc: {  	p2 =	slt.s32 @p1 s11, $0x71  }
0xdd: {  	p2 =	por p2, !p1  }
0xde: {  	s16 =	simm.s32 @!p2 $0x80;
	s17 =	simm.s32 @!p2 $0x186A0;
	s18 =	simm.s32 @!p2 $0x187A0  }
0xdf: {  	[tilespmem:s18], [sflag:$0x5] =	stream.indirect.gather @!p2 [hbm4b:s8+s16], $0x40, s17, s16, $0xb8;
	[tilespmem:$0x1CBE8] =	vst v63  }
0xe0: {  	s17 =	simm.s32 @!p2 $0x5  }
0xe1: {  	_ =	swait.ge @!p2 [sflag:s17], $0x2000  }
0xe2: {  	[sflag:s17] =	ssyncset.done @!p2 $0x0  }
0xe3: {  	s19 =	simm.s32 @!p2 $0x18720;
	[sflag:s17] =	ssyncadd.s32 @!p2 $0xFFFFE000  }
0xe4: {  	[spmem:s2] =	stream.indirect.scatter.add.f32 @!p2 [tilespmem:s18], [sflag:$0x5], $0x40, s19, s16, $0xb8;
	[tilespmem:$0x1CBE8] =	vst v63  }
0xe5: {  	_ =	swait.ge @!p2 [sflag:s17], $0x2000  }
0xe6: {  	[sflag:s17] =	ssyncset.done @!p2 $0x0  }
0xe7: {  	s18 =	simm.s32 @!p2 $0x1A7A0;
	[sflag:s17] =	ssyncadd.s32 @!p2 $0xFFFFE000  }
0xe8: {  	vm1 =	vne.s32 @p1 v4, $0xFFFF;
	v5 =	vimm.s32 @p1 $0x0;
	[spmem:s3] =	stream.indirect.scatter.add.f32 @!p2 [tilespmem:s18], [sflag:$0x5], $0x10, s19, s16, $0xb8;
	[tilespmem:$0x1CBE8] =	vst v63  }
0xe9: {  	v5 =	vsel @p1 vm1, $0x1, v5;
	_ =	swait.ge @!p2 [sflag:s17], $0x800  }
0xea: {  	v62 =	vsel vm0, $0x3F800000, v2;
	(xrf0) =	vadd.scan.msk.s32 @p1 $0xffff, v5  }
0xeb: {  	(xrf0) =	vmax.scan.msk.f32 $0xffff, v62;
	_ =	sdelay $0x4  }
0xec: {  	v5, _, _ =	vpop @p1 (xrf0)  }
0xed: {  	(v2sf) =	vpush @p1 v5, $0xF;
	v63, _, _ =	vpop (xrf0)  }
0xee: {  	(v2sf) =	vpush v63, $0xF;
	_ =	sdelay $0x3  }
0xef: {  	[sflag:s17] =	ssyncset.done @!p2 $0x0  }
0xf0: {  	[sflag:s17] =	ssyncadd.s32 @!p2 $0xFFFFF800;
	v5 =	vimm.s32 @!p2 $0x400  }
0xf1: {  	[tilespmem:$0x18720] =	vst @!p2 v5  }
0xf2: {  	[tilespmem:$0x18730] =	vst @!p2 v5  }
0xf3: {  	[tilespmem:$0x18740] =	vst @!p2 v5  }
0xf4: {  	[tilespmem:$0x18750] =	vst @!p2 v5  }
0xf5: {  	[tilespmem:$0x18760] =	vst @!p2 v5  }
0xf6: {  	[tilespmem:$0x18770] =	vst @!p2 v5  }
0xf7: {  	[tilespmem:$0x18780] =	vst @!p2 v5  }
0xf8: {  	p3 =	sgt.s32 @p1 s11, $0x70;
	s16 =	sshra.s32 @p1 s15, $0x2;
	[tilespmem:$0x18790] =	vst @!p2 v5  }
0xf9: {  	s18 =	smov.u32 s11;
	p2 =	por !p3, !p1;
	v5 =	vld @p1 [tilespmem:s16+$0xC350];
	s17 =	spop @p1 (v2sf)  }
0xfa: {  	s18 =	simm.s32 @!p2 $0x0;
	s19 =	spop (v2sf)  }
0xfb: {  	s17 =	sadd.s32 @p1 s18, s17;
	p2 =	sgt.f32 s19, $0.0e+00  }
0xfc: {  	s11 =	smov.u32 @p1 s17  }
0xfd: {  	p3 =	slt.s32 @p2 s11, $0x71  }
0xfe: {  	[tilespmem:s18+$0x186A0] =	vst.msk @p1 vm1, v5;
	p3 =	por p3, !p2  }
0xff: {  	[tilespmem:s18+$0x18720] =	vst.msk @p1 vm1, v4;
	s16 =	simm.s32 @!p3 $0x80;
	s17 =	simm.s32 @!p3 $0x186A0;
	s18 =	simm.s32 @!p3 $0x187A0  }
0x100: {  	[tilespmem:s18], [sflag:$0x5] =	stream.indirect.gather @!p3 [hbm4b:s8+s16], $0x40, s17, s16, $0xb8;
	[tilespmem:$0x1CBE8] =	vst v63  }
0x101: {  	s17 =	simm.s32 @!p3 $0x5  }
0x102: {  	_ =	swait.ge @!p3 [sflag:s17], $0x2000  }
0x103: {  	[sflag:s17] =	ssyncset.done @!p3 $0x0  }
0x104: {  	s19 =	simm.s32 @!p3 $0x18720;
	[sflag:s17] =	ssyncadd.s32 @!p3 $0xFFFFE000  }
0x105: {  	[spmem:s2] =	stream.indirect.scatter.add.f32 @!p3 [tilespmem:s18], [sflag:$0x5], $0x40, s19, s16, $0xb8;
	[tilespmem:$0x1CBE8] =	vst v63  }
0x106: {  	_ =	swait.ge @!p3 [sflag:s17], $0x2000  }
0x107: {  	[sflag:s17] =	ssyncset.done @!p3 $0x0  }
0x108: {  	s18 =	simm.s32 @!p3 $0x1A7A0;
	[sflag:s17] =	ssyncadd.s32 @!p3 $0xFFFFE000  }
0x109: {  	vm0 =	vne.s32 @p2 v3, $0xFFFF;
	v4 =	vimm.s32 @p2 $0x0;
	[spmem:s3] =	stream.indirect.scatter.add.f32 @!p3 [tilespmem:s18], [sflag:$0x5], $0x10, s19, s16, $0xb8;
	[tilespmem:$0x1CBE8] =	vst v63  }
0x10a: {  	v4 =	vsel @p2 vm0, $0x1, v4;
	_ =	swait.ge @!p3 [sflag:s17], $0x800  }
0x10b: {  	(xrf0) =	vadd.scan.msk.s32 @p2 $0xffff, v4;
	_ =	sdelay $0x5  }
0x10c: {  	v4, _, _ =	vpop @p2 (xrf0)  }
0x10d: {  	(v2sf) =	vpush @p2 v4, $0xF  }
0x10e: {  	[sflag:s17] =	ssyncset.done @!p3 $0x0  }
0x10f: {  	[sflag:s17] =	ssyncadd.s32 @!p3 $0xFFFFF800;
	v4 =	vimm.s32 @!p3 $0x400  }
0x110: {  	[tilespmem:$0x18720] =	vst @!p3 v4  }
0x111: {  	[tilespmem:$0x18730] =	vst @!p3 v4  }
0x112: {  	[tilespmem:$0x18740] =	vst @!p3 v4  }
0x113: {  	[tilespmem:$0x18750] =	vst @!p3 v4  }
0x114: {  	[tilespmem:$0x18760] =	vst @!p3 v4  }
0x115: {  	[tilespmem:$0x18770] =	vst @!p3 v4  }
0x116: {  	[tilespmem:$0x18780] =	vst @!p3 v4  }
0x117: {  	s16 =	sshra.s32 @p2 s15, $0x2;
	[tilespmem:$0x18790] =	vst @!p3 v4  }
0x118: {  	v4 =	vld @p2 [tilespmem:s16+$0xC360];
	_ =	sdelay $0x1  }
.Ltmp8:
0x119: {  	p1 =	sgt.s32 @p2 s11, $0x70;
	(pc) =	sbr.rel .LBB2_7-.Ltmp8, $4  }
0x11a: {  	p1 =	por !p1, !p2;
	s16 =	smov.u32 s11  }
0x11b: {  	s16 =	simm.s32 @!p1 $0x0;
	s17 =	spop @p2 (v2sf)  }
0x11c: {  	[tilespmem:s16+$0x186A0] =	vst.msk @p2 vm0, v4;
	s17 =	sadd.s32 @p2 s17, s16  }
0x11d: {  	[tilespmem:s16+$0x18720] =	vst.msk @p2 vm0, v3;
	s11 =	smov.u32 @p2 s17  }
.LBB2_8:
0x11e: {  	_ =	swait.ge [sflag:s31], $0x2710  }
0x11f: {  	[sflag:s31] =	ssyncset.done $0x0  }
0x120: {  	p1 =	seq.s32 s23, $0x4;
	[sflag:s31] =	ssyncadd.s32 $0xFFFFD8F0  }
0x121: {  	s12 =	sadd.s32 @!p1 s12, s14;
	_ =	swait.ge [sflag:s0], $0x2710  }
0x122: {  	s16 =	simm.s32 @!p1 $0x0;
	s12 =	sshrl.u32 @!p1 s12, $0x3;
	[sflag:s0] =	ssyncset.done $0x0  }
0x123: {  	s17 =	simm.s32 @!p1 $0xC350;
	s15 =	sadd.s32 @!p1 s5, s12;
	[sflag:s0] =	ssyncadd.s32 $0xFFFFD8F0  }
0x124: {  	[tilespmem:s17], [sflag:$0x1] =	stream.linear.gather @!p1 [hbm4b:s15+s16], $0x2710, $0x38;
	[tilespmem:$0x1CBE8] =	vst v63  }
0x125: {  	s18 =	simm.s32 $0x138F0;
	s12 =	sadd.s32 @!p1 s6, s12;
	s15 =	simm.s32 @!p1 $0x11170  }
0x126: {  	[tilespmem:s15], [sflag:$0x2] =	stream.linear.gather @!p1 [hbm4b:s12+s16], $0x2710, $0x38;
	[tilespmem:$0x1CBE8] =	vst v63  }
0x127: {  	v3 =	vld [tilespmem:s18+$0x0]  }
0x128: {  	v4 =	vld [tilespmem:s18+$0xFFFFFFA0]  }
0x129: {  	v5 =	vld [tilespmem:s18+$0xFFFFFFB0]  }
0x12a: {  	v6 =	vld [tilespmem:s18+$0xFFFFFFC0]  }
0x12b: {  	v12 =	vld [tilespmem:s18+$0xFFFFFFF0]  }
0x12c: {  	v14 =	vld [tilespmem:s18+$0xFFFFFF90]  }
0x12d: {  	v7 =	vld [tilespmem:s18+$0xFFFFFFD0]  }
0x12e: {  	v9 =	vshrl.u32 v3, $0x1  }
0x12f: {  	s19 =	simm.s32 $0x13970;
	v8 =	vld [tilespmem:s18+$0xFFFFFFE0];
	v10 =	vshrl.u32 v4, $0x1  }
0x130: {  	v18 =	vld [tilespmem:s19+$0x0];
	v11 =	vshrl.u32 v5, $0x1;
	v13 =	vshrl.u32 v6, $0x1;
	v17 =	vshrl.u32 v12, $0x1  }
0x131: {  	v20 =	vld [tilespmem:s19+$0xFFFFFFA0];
	v12 =	vshll.u32 v12, $0x4;
	v19 =	vshrl.u32 v14, $0x1;
	v14 =	vshll.u32 v14, $0x4  }
0x132: {  	v15 =	vshrl.u32 v7, $0x1;
	v21 =	vand.u32 $0x10, v12;
	v12 =	vand.u32 $0x10, v14;
	v14 =	vld [tilespmem:s19+$0xFFFFFFB0]  }
0x133: {  	v9 =	vld.idx.msk [tilespmem:v9+s4+$0x0], $0xffff  }
0x134: {  	v10 =	vld.idx.msk [tilespmem:v10+s4+$0x0], $0xffff  }
0x135: {  	v16 =	vshrl.u32 v8, $0x1;
	v11 =	vld.idx.msk [tilespmem:v11+s4+$0x0], $0xffff  }
0x136: {  	v13 =	vld.idx.msk [tilespmem:v13+s4+$0x0], $0xffff  }
0x137: {  	v4 =	vshll.u32 v4, $0x4;
	v5 =	vshll.u32 v5, $0x4;
	v6 =	vshll.u32 v6, $0x4;
	v15 =	vld.idx.msk [tilespmem:v15+s4+$0x0], $0xffff  }
0x138: {  	v7 =	vshll.u32 v7, $0x4;
	v8 =	vshll.u32 v8, $0x4;
	v3 =	vshll.u32 v3, $0x4;
	v19 =	vld.idx.msk [tilespmem:v19+s4+$0x0], $0xffff  }
0x139: {  	v24 =	vshrl.u32 v20, $0x1;
	v4 =	vand.u32 $0x10, v4;
	v5 =	vand.u32 $0x10, v5  }
0x13a: {  	v6 =	vand.u32 $0x10, v6;
	v7 =	vand.u32 $0x10, v7;
	v3 =	vand.u32 $0x10, v3;
	v16 =	vld.idx.msk [tilespmem:v16+s4+$0x0], $0xffff  }
0x13b: {  	v8 =	vand.u32 $0x10, v8;
	v26 =	vshrl.u32 v14, $0x1;
	v3 =	vshrl.u32 v9, v3;
	v9 =	vld [tilespmem:s19+$0xFFFFFFC0]  }
0x13c: {  	v4 =	vshrl.u32 v10, v4;
	v5 =	vshrl.u32 v11, v5;
	v11 =	vld [tilespmem:s19+$0xFFFFFFD0];
	v6 =	vshrl.u32 v13, v6  }
0x13d: {  	v7 =	vshrl.u32 v15, v7;
	v13 =	vld [tilespmem:s19+$0xFFFFFFE0];
	v15 =	vshrl.u32 v18, $0x1;
	v19 =	vshrl.u32 v19, v12  }
0x13e: {  	v25 =	vld [tilespmem:s19+$0xFFFFFFF0];
	v18 =	vshll.u32 v18, $0x4;
	v3 =	vand.u32 $0xFFFF, v3;
	v22 =	vand.u32 $0xFFFF, v6  }
0x13f: {  	v23 =	vand.u32 $0xFFFF, v7;
	v6 =	vshrl.u32 v16, v8;
	v7 =	vshll.u32 v20, $0x4  }
0x140: {  	v20 =	vld [tilespmem:s19+$0xFFFFFF90];
	v27 =	vand.u32 $0xFFFF, v6;
	v6 =	vshll.u32 v14, $0x4;
	v14 =	vshrl.u32 v9, $0x1  }
0x141: {  	s12 =	simm.s32 $0x15FD0;
	v29 =	vld.idx.msk [tilespmem:v17+s4+$0x0], $0xffff;
	v4 =	vand.u32 $0xFFFF, v4;
	v5 =	vand.u32 $0xFFFF, v5;
	v28 =	vshrl.u32 v11, $0x1  }
0x142: {  	v16 =	vld.idx.msk [tilespmem:v24+s4+$0x0], $0xffff;
	v18 =	vand.u32 $0x10, v18;
	v19 =	vand.u32 $0xFFFF, v19;
	[tilespmem:s12+$0x30] =	vst v3;
	v30 =	vshrl.u32 v13, $0x1  }
0x143: {  	v10 =	vand.u32 $0x10, v7;
	[tilespmem:s12+$0xFFFFFFE0] =	vst v5;
	v5 =	vshrl.u32 v25, $0x1;
	v3 =	vshll.u32 v9, $0x4;
	v17 =	vld.idx.msk [tilespmem:v15+s4+$0x0], $0xffff  }
0x144: {  	[tilespmem:s12+$0xFFFFFFD0] =	vst v4;
	v6 =	vand.u32 $0x10, v6;
	v7 =	vshll.u32 v11, $0x4;
	v15 =	vld.idx.msk [tilespmem:v26+s4+$0x0], $0xffff;
	v9 =	vand.u32 $0x10, v3  }
0x145: {  	[tilespmem:s12+$0xFFFFFFF0] =	vst v22;
	v7 =	vand.u32 $0x10, v7;
	v3 =	vshll.u32 v13, $0x4;
	v11 =	vshrl.u32 v20, $0x1;
	v14 =	vld.idx.msk [tilespmem:v14+s4+$0x0], $0xffff  }
0x146: {  	[tilespmem:s12+$0x0] =	vst v23;
	v4 =	vshll.u32 v20, $0x4;
	v8 =	vand.u32 $0x10, v3;
	v3 =	vshll.u32 v25, $0x4;
	v12 =	vld.idx.msk [tilespmem:v28+s4+$0x0], $0xffff  }
0x147: {  	s15 =	simm.s32 $0x8;
	s16 =	simm.s32 $0x139F0;
	[tilespmem:s12+$0x10] =	vst v27;
	v20 =	vshrl.u32 v29, v21;
	v4 =	vand.u32 $0x10, v4;
	v3 =	vand.u32 $0x10, v3;
	v13 =	vld.idx.msk [tilespmem:v30+s4+$0x0], $0xffff  }
.LBB2_9:
0x148: {  	v21 =	vld [tilespmem:s16+$0x0];
	s15 =	sadd.s32 $0x8, s15;
	v17 =	vshrl.u32 v17, v18;
	[tilespmem:s12+$0xFFFFFFC0] =	vst v19;
	v18 =	vand.u32 $0xFFFF, v20  }
0x149: {  	v10 =	vshrl.u32 v16, v10;
	v19 =	vld [tilespmem:s16+$0xFFFFFFA0];
	p1 =	slt.u32 s15, $0x268;
	v16 =	vand.u32 $0xFFFF, v17;
	[tilespmem:s12+$0x20] =	vst v18;
	s12 =	sadd.s32 $0x80, s12  }
0x14a: {  	v10 =	vand.u32 $0xFFFF, v10;
	v6 =	vshrl.u32 v15, v6;
	v17 =	vld [tilespmem:s16+$0xFFFFFFB0];
	[tilespmem:s12+$0x30] =	vst v16  }
0x14b: {  	v6 =	vand.u32 $0xFFFF, v6;
	v9 =	vshrl.u32 v14, v9;
	v15 =	vld [tilespmem:s16+$0xFFFFFFC0];
	[tilespmem:s12+$0xFFFFFFD0] =	vst v10  }
0x14c: {  	v7 =	vshrl.u32 v12, v7;
	v14 =	vld [tilespmem:s16+$0xFFFFFFD0];
	[tilespmem:s12+$0xFFFFFFE0] =	vst v6;
	v6 =	vand.u32 $0xFFFF, v9  }
0x14d: {  	v12 =	vld [tilespmem:s16+$0xFFFFFFE0];
	v16 =	vshrl.u32 v21, $0x1;
	[tilespmem:s12+$0xFFFFFFF0] =	vst v6;
	v6 =	vand.u32 $0xFFFF, v7;
	v7 =	vshrl.u32 v13, v8  }
0x14e: {  	v8 =	vshrl.u32 v19, $0x1;
	v9 =	vshll.u32 v19, $0x4;
	v13 =	vld [tilespmem:s16+$0xFFFFFFF0];
	[tilespmem:s12+$0x0] =	vst v6;
	v6 =	vand.u32 $0xFFFF, v7  }
0x14f: {  	v18 =	vld [tilespmem:s16+$0xFFFFFF90];
	v10 =	vand.u32 $0x10, v9;
	v19 =	vshrl.u32 v17, $0x1;
	v7 =	vshll.u32 v17, $0x4;
	[tilespmem:s12+$0x10] =	vst v6  }
0x150: {  	v6 =	vand.u32 $0x10, v7;
	v20 =	vshrl.u32 v15, $0x1;
	v7 =	vshll.u32 v15, $0x4;
	v22 =	vld.idx.msk [tilespmem:v11+s4+$0x0], $0xffff  }
0x151: {  	v9 =	vand.u32 $0x10, v7;
	v23 =	vshrl.u32 v14, $0x1;
	v7 =	vshll.u32 v14, $0x4;
	v24 =	vld.idx.msk [tilespmem:v5+s4+$0x0], $0xffff  }
0x152: {  	v7 =	vand.u32 $0x10, v7;
	v25 =	vshrl.u32 v12, $0x1;
	v5 =	vshll.u32 v12, $0x4;
	v17 =	vld.idx.msk [tilespmem:v16+s4+$0x0], $0xffff  }
.Ltmp9:
0x153: {  	v16 =	vld.idx.msk [tilespmem:v8+s4+$0x0], $0xffff;
	v8 =	vand.u32 $0x10, v5;
	v5 =	vshrl.u32 v13, $0x1;
	v12 =	vshll.u32 v13, $0x4;
	(pc) =	sbr.rel @p1 .LBB2_9-.Ltmp9, $4  }
0x154: {  	v11 =	vshrl.u32 v18, $0x1;
	v13 =	vshll.u32 v18, $0x4;
	v15 =	vld.idx.msk [tilespmem:v19+s4+$0x0], $0xffff;
	v26 =	vand.u32 $0x10, v12  }
0x155: {  	v13 =	vand.u32 $0x10, v13;
	v14 =	vld.idx.msk [tilespmem:v20+s4+$0x0], $0xffff  }
0x156: {  	v18 =	vshll.u32 v21, $0x4;
	v19 =	vshrl.u32 v22, v4;
	v12 =	vld.idx.msk [tilespmem:v23+s4+$0x0], $0xffff;
	v4 =	vmov v13  }
0x157: {  	s16 =	sadd.s32 $0x80, s16;
	v18 =	vand.u32 $0x10, v18;
	v19 =	vand.u32 $0xFFFF, v19;
	v20 =	vshrl.u32 v24, v3;
	v3 =	vmovc v26;
	v13 =	vld.idx.msk [tilespmem:v25+s4+$0x0], $0xffff  }
0x158: {  	_ =	sdelay $0x2  }
0x159: {  	v17 =	vshrl.u32 v17, v18;
	[tilespmem:s12+$0xFFFFFFC0] =	vst v19;
	v57 =	vand.u32 $0xFFFF, v20  }
0x15a: {  	v10 =	vshrl.u32 v16, v10;
	s19 =	sadd.s32 $0x80, s12;
	v11 =	vld.idx.msk [tilespmem:v11+s4+$0x0], $0xffff;
	v58 =	vand.u32 $0xFFFF, v17;
	[tilespmem:s12+$0x20] =	vst v57  }
0x15b: {  	v5 =	vld.idx.msk [tilespmem:v5+s4+$0x0], $0xffff;
	v10 =	vand.u32 $0xFFFF, v10;
	v6 =	vshrl.u32 v15, v6;
	[tilespmem:s19+$0x30] =	vst v58  }
0x15c: {  	[tilespmem:s19+$0xFFFFFFD0] =	vst v10;
	v6 =	vand.u32 $0xFFFF, v6;
	v9 =	vshrl.u32 v14, v9  }
0x15d: {  	[tilespmem:s19+$0xFFFFFFE0] =	vst v6;
	v59 =	vand.u32 $0xFFFF, v9;
	v7 =	vshrl.u32 v12, v7  }
0x15e: {  	[tilespmem:s19+$0xFFFFFFF0] =	vst v59;
	v60 =	vand.u32 $0xFFFF, v7;
	v61 =	vshrl.u32 v13, v8  }
0x15f: {  	[tilespmem:s19+$0x0] =	vst v60;
	v62 =	vand.u32 $0xFFFF, v61;
	v4 =	vshrl.u32 v11, v4  }
0x160: {  	v3 =	vshrl.u32 v5, v3;
	[tilespmem:s19+$0x10] =	vst v62;
	v4 =	vand.u32 $0xFFFF, v4  }
0x161: {  	v3 =	vand.u32 $0xFFFF, v3;
	[tilespmem:s19+$0xFFFFFFC0] =	vst v4  }
0x162: {  	[tilespmem:s19+$0x20] =	vst v3  }
0x163: {  	v3 =	vld [tilespmem:$0x15F80];
	_ =	sdelay $0x4  }
0x164: {  	v63 =	vshrl.u32 v3, $0x1;
	_ =	sdelay $0x3  }
0x165: {  	s12 =	simm.s32 $0x0  }
0x166: {  	v4 =	vld.idx.msk [tilespmem:v63+s12+$0x0], $0xffff;
	_ =	sdelay $0x2  }
.Ltmp10:
0x167: {  	v3 =	vshll.u32 v3, $0x4;
	(pc) =	sbr.rel .LBB2_11-.Ltmp10, $4  }
0x168: {  	v3 =	vand.u32 $0x10, v3  }
0x169: {  	v3 =	vshrl.u32 v4, v3  }
0x16a: {  	v3 =	vand.u32 $0xFFFF, v3  }
0x16b: {  	[tilespmem:$0x18690] =	vst v3  }
.LBB2_13:
0x16c: {  	s12 =	sadd.s32 $0x80, s12  }
0x16d: {  	p1 =	sne.s32 s12, $0x9C00  }
.Ltmp11:
0x16e: {  	_ = 	snop;
	(pc) =	sbr.rel @!p1 .LBB2_14-.Ltmp11, $1  }
0x16f: {  	_ =	sdelay $0x3  }
.LBB2_11:
0x170: {  	s15 =	sshra.s32 s12, $0x2  }
0x171: {  	v4 =	vld [tilespmem:s15+$0x15F90]  }
0x172: {  	v3 =	vld [tilespmem:s15+$0x15FA0];
	_ =	sdelay $0x4  }
0x173: {  	vm1 =	vne.s32 v4, $0xFFFF;
	vm0 =	vne.s32 v3, $0xFFFF  }
0x174: {  	vm2 =	vmor vm1, vm0  }
0x175: {  	v5 =	vsel vm2, $0x3F800000, v2  }
0x176: {  	(xrf0) =	vmax.scan.msk.f32 $0xffff, v5;
	_ =	sdelay $0x5  }
0x177: {  	v5, _, _ =	vpop (xrf0)  }
0x178: {  	(v2sf) =	vpush v5, $0xF;
	_ =	sdelay $0xe  }
0x179: {  	s19 =	spop (v2sf)  }
0x17a: {  	p1 =	sgt.f32 s19, $0.0e+00  }
.Ltmp12:
0x17b: {  	_ = 	snop;
	(pc) =	sbr.rel @!p1 .LBB2_13-.Ltmp12, $1  }
0x17c: {  	_ =	sdelay $0x3  }
0x17d: {  	v5 =	vsel vm1, $0x3F800000, v2  }
0x17e: {  	(xrf0) =	vmax.scan.msk.f32 $0xffff, v5;
	_ =	sdelay $0x5  }
0x17f: {  	v5, _, _ =	vpop (xrf0)  }
0x180: {  	(v2sf) =	vpush v5, $0xF;
	_ =	sdelay $0xe  }
0x181: {  	s15 =	spop (v2sf)  }
0x182: {  	p1 =	sgt.f32 s15, $0.0e+00;
	_ =	sdelay $0x1  }
0x183: {  	p2 =	slt.s32 @p1 s11, $0x71  }
0x184: {  	p2 =	por p2, !p1  }
0x185: {  	s15 =	simm.s32 @!p2 $0x80;
	s16 =	simm.s32 @!p2 $0x186A0;
	s17 =	simm.s32 @!p2 $0x187A0  }
0x186: {  	[tilespmem:s17], [sflag:$0x5] =	stream.indirect.gather @!p2 [hbm4b:s8+s15], $0x40, s16, s15, $0xb8;
	[tilespmem:$0x1CBE8] =	vst v63  }
0x187: {  	s16 =	simm.s32 @!p2 $0x5  }
0x188: {  	_ =	swait.ge @!p2 [sflag:s16], $0x2000  }
0x189: {  	[sflag:s16] =	ssyncset.done @!p2 $0x0  }
0x18a: {  	s18 =	simm.s32 @!p2 $0x18720;
	[sflag:s16] =	ssyncadd.s32 @!p2 $0xFFFFE000  }
0x18b: {  	[spmem:s2] =	stream.indirect.scatter.add.f32 @!p2 [tilespmem:s17], [sflag:$0x5], $0x40, s18, s15, $0xb8;
	[tilespmem:$0x1CBE8] =	vst v63  }
0x18c: {  	_ =	swait.ge @!p2 [sflag:s16], $0x2000  }
0x18d: {  	[sflag:s16] =	ssyncset.done @!p2 $0x0  }
0x18e: {  	s17 =	simm.s32 @!p2 $0x1A7A0;
	[sflag:s16] =	ssyncadd.s32 @!p2 $0xFFFFE000  }
0x18f: {  	vm1 =	vne.s32 @p1 v4, $0xFFFF;
	v5 =	vimm.s32 @p1 $0x0;
	[spmem:s3] =	stream.indirect.scatter.add.f32 @!p2 [tilespmem:s17], [sflag:$0x5], $0x10, s18, s15, $0xb8;
	[tilespmem:$0x1CBE8] =	vst v63  }
0x190: {  	v5 =	vsel @p1 vm1, $0x1, v5;
	_ =	swait.ge @!p2 [sflag:s16], $0x800  }
0x191: {  	v62 =	vsel vm0, $0x3F800000, v2;
	(xrf0) =	vadd.scan.msk.s32 @p1 $0xffff, v5  }
0x192: {  	(xrf0) =	vmax.scan.msk.f32 $0xffff, v62;
	_ =	sdelay $0x4  }
0x193: {  	v5, _, _ =	vpop @p1 (xrf0)  }
0x194: {  	(v2sf) =	vpush @p1 v5, $0xF;
	v63, _, _ =	vpop (xrf0)  }
0x195: {  	(v2sf) =	vpush v63, $0xF;
	_ =	sdelay $0x3  }
0x196: {  	[sflag:s16] =	ssyncset.done @!p2 $0x0  }
0x197: {  	[sflag:s16] =	ssyncadd.s32 @!p2 $0xFFFFF800;
	v5 =	vimm.s32 @!p2 $0x400  }
0x198: {  	[tilespmem:$0x18720] =	vst @!p2 v5  }
0x199: {  	[tilespmem:$0x18730] =	vst @!p2 v5  }
0x19a: {  	[tilespmem:$0x18740] =	vst @!p2 v5  }
0x19b: {  	[tilespmem:$0x18750] =	vst @!p2 v5  }
0x19c: {  	[tilespmem:$0x18760] =	vst @!p2 v5  }
0x19d: {  	[tilespmem:$0x18770] =	vst @!p2 v5  }
0x19e: {  	[tilespmem:$0x18780] =	vst @!p2 v5  }
0x19f: {  	p3 =	sgt.s32 @p1 s11, $0x70;
	s15 =	sshra.s32 @p1 s12, $0x2;
	[tilespmem:$0x18790] =	vst @!p2 v5  }
0x1a0: {  	s17 =	smov.u32 s11;
	p2 =	por !p3, !p1;
	v5 =	vld @p1 [tilespmem:s15+$0xEA60];
	s16 =	spop @p1 (v2sf)  }
0x1a1: {  	s17 =	simm.s32 @!p2 $0x0;
	s19 =	spop (v2sf)  }
0x1a2: {  	s16 =	sadd.s32 @p1 s17, s16;
	p2 =	sgt.f32 s19, $0.0e+00  }
0x1a3: {  	s11 =	smov.u32 @p1 s16  }
0x1a4: {  	p3 =	slt.s32 @p2 s11, $0x71  }
0x1a5: {  	[tilespmem:s17+$0x186A0] =	vst.msk @p1 vm1, v5;
	p3 =	por p3, !p2  }
0x1a6: {  	[tilespmem:s17+$0x18720] =	vst.msk @p1 vm1, v4;
	s15 =	simm.s32 @!p3 $0x80;
	s16 =	simm.s32 @!p3 $0x186A0;
	s17 =	simm.s32 @!p3 $0x187A0  }
0x1a7: {  	[tilespmem:s17], [sflag:$0x5] =	stream.indirect.gather @!p3 [hbm4b:s8+s15], $0x40, s16, s15, $0xb8;
	[tilespmem:$0x1CBE8] =	vst v63  }
0x1a8: {  	s16 =	simm.s32 @!p3 $0x5  }
0x1a9: {  	_ =	swait.ge @!p3 [sflag:s16], $0x2000  }
0x1aa: {  	[sflag:s16] =	ssyncset.done @!p3 $0x0  }
0x1ab: {  	s18 =	simm.s32 @!p3 $0x18720;
	[sflag:s16] =	ssyncadd.s32 @!p3 $0xFFFFE000  }
0x1ac: {  	[spmem:s2] =	stream.indirect.scatter.add.f32 @!p3 [tilespmem:s17], [sflag:$0x5], $0x40, s18, s15, $0xb8;
	[tilespmem:$0x1CBE8] =	vst v63  }
0x1ad: {  	_ =	swait.ge @!p3 [sflag:s16], $0x2000  }
0x1ae: {  	[sflag:s16] =	ssyncset.done @!p3 $0x0  }
0x1af: {  	s17 =	simm.s32 @!p3 $0x1A7A0;
	[sflag:s16] =	ssyncadd.s32 @!p3 $0xFFFFE000  }
0x1b0: {  	vm0 =	vne.s32 @p2 v3, $0xFFFF;
	v4 =	vimm.s32 @p2 $0x0;
	[spmem:s3] =	stream.indirect.scatter.add.f32 @!p3 [tilespmem:s17], [sflag:$0x5], $0x10, s18, s15, $0xb8;
	[tilespmem:$0x1CBE8] =	vst v63  }
0x1b1: {  	v4 =	vsel @p2 vm0, $0x1, v4;
	_ =	swait.ge @!p3 [sflag:s16], $0x800  }
0x1b2: {  	(xrf0) =	vadd.scan.msk.s32 @p2 $0xffff, v4;
	_ =	sdelay $0x5  }
0x1b3: {  	v4, _, _ =	vpop @p2 (xrf0)  }
0x1b4: {  	(v2sf) =	vpush @p2 v4, $0xF  }
0x1b5: {  	[sflag:s16] =	ssyncset.done @!p3 $0x0  }
0x1b6: {  	[sflag:s16] =	ssyncadd.s32 @!p3 $0xFFFFF800;
	v4 =	vimm.s32 @!p3 $0x400  }
0x1b7: {  	[tilespmem:$0x18720] =	vst @!p3 v4  }
0x1b8: {  	[tilespmem:$0x18730] =	vst @!p3 v4  }
0x1b9: {  	[tilespmem:$0x18740] =	vst @!p3 v4  }
0x1ba: {  	[tilespmem:$0x18750] =	vst @!p3 v4  }
0x1bb: {  	[tilespmem:$0x18760] =	vst @!p3 v4  }
0x1bc: {  	[tilespmem:$0x18770] =	vst @!p3 v4  }
0x1bd: {  	[tilespmem:$0x18780] =	vst @!p3 v4  }
0x1be: {  	s15 =	sshra.s32 @p2 s12, $0x2;
	[tilespmem:$0x18790] =	vst @!p3 v4  }
0x1bf: {  	v4 =	vld @p2 [tilespmem:s15+$0xEA70];
	_ =	sdelay $0x1  }
.Ltmp13:
0x1c0: {  	p1 =	sgt.s32 @p2 s11, $0x70;
	(pc) =	sbr.rel .LBB2_13-.Ltmp13, $4  }
0x1c1: {  	p1 =	por !p1, !p2;
	s15 =	smov.u32 s11  }
0x1c2: {  	s15 =	simm.s32 @!p1 $0x0;
	s16 =	spop @p2 (v2sf)  }
0x1c3: {  	[tilespmem:s15+$0x186A0] =	vst.msk @p2 vm0, v4;
	s16 =	sadd.s32 @p2 s16, s15  }
0x1c4: {  	[tilespmem:s15+$0x18720] =	vst.msk @p2 vm0, v3;
	s11 =	smov.u32 @p2 s16  }
.LBB2_16:
0x1c5: {  	_ =	sfence.sel $0x180000  }
0x1c6: {  	[bflag:$0x0] =	sbarrier.arrive $0xFFFF  }
0x1c7: {  	_ =	strace $0x90000047  }
0x1c8: {  	[bflag:$0x2] =	sbarrier.arrive $0xFFFF  }
0x1c9: {  	s0 =	rddreg [dreg:$0x5]  }
0x1ca: {  	s0 =	sadd.s32 @!p0 $0x100000, s0  }
0x1cb: {  	[sflag:s0] =	ssyncadd.tile.s32 @!p0 $0x1;
	_ =	shalt  }
.Lfunc_end2:
_tile_overlayer_lowered:
.L_overlay_start_2:
0x1cc: {  	(tag) =	ssettag $0x2  }
0x1cd: {  	s0 =	rddreg [dreg:$0x0];
	s2 =	stileid.u32  }
0x1ce: {  	s1 =	rddreg [dreg:$0x1];
	p0 =	sne.s32 s2, $0x0  }
0x1cf: {  	s3 =	rddreg [dreg:$0x2];
	[bflag:$0x3] =	sbarrier.arrive $0xFFFF;
	s2 =	simm.s32 @!p0 $0x1C05  }
0x1d0: {  	[timem:s3], [sflag:s2] =	dma.local @!p0 [hbm:s0], s1  }
0x1d1: {  	s0 =	simm.s32 @!p0 $0x5  }
0x1d2: {  	_ =	swait.ge @!p0 [sflag:s0], s1  }
0x1d3: {  	s1 =	ssub.s32 @!p0 $0x0, s1;
	[sflag:s0] =	ssyncset.done @!p0 $0x0  }
0x1d4: {  	[sflag:s0] =	ssyncadd.s32 @!p0 s1  }
0x1d5: {  	[bflag:$0x3] =	sbarrier.arrive $0xFFFF  }
0x1d6: {  	_ =	shalt  }

</sc_bundles>
